<compile_context>
chip_gen: v7x
topology: tpu7x:2x2x1
jax: 0.10.2.dev20260603
libtpu: 0.0.44.dev20260713+nightly
codegen_flags: <defaults>
</compile_context>

<pallas_src>
import functools

import jax
import jax.numpy as jnp
from jax import lax
from jax.experimental import pallas as pl
from jax.experimental.pallas import tpu as pltpu
from jax.experimental.pallas import tpu_sc as plsc

NUM_ROWS = 1_000_000
DIM = 32
NUM_CORES = 2
NUM_SUBCORES = 16
NUM_WORKERS = NUM_CORES * NUM_SUBCORES

LANE = 128
TILES = NUM_ROWS // LANE
TILES_PER_WORKER = TILES // NUM_WORKERS
EXTRA_TILES = TILES - TILES_PER_WORKER * NUM_WORKERS
TAIL_WORKER = EXTRA_TILES

CHUNK_TILES = [15] * 16 + [4]
CHUNK_OFFS = [sum(CHUNK_TILES[:k]) for k in range(len(CHUNK_TILES))]
NCHUNKS = len(CHUNK_TILES)
MAXC = max(CHUNK_TILES) * LANE
NBUF = 2

_MESH = plsc.VectorSubcoreMesh(core_axis_name="c", subcore_axis_name="s")


@functools.partial(
    pl.kernel,
    mesh=_MESH,
    out_type=jax.ShapeDtypeStruct((DIM, NUM_ROWS), jnp.float32),
    scratch_types=[
        pltpu.VMEM_SHARED((NUM_SUBCORES, DIM, MAXC), jnp.float32),
        pltpu.VMEM_SHARED((NUM_SUBCORES, DIM, MAXC), jnp.float32),
        pltpu.VMEM((DIM, LANE), jnp.float32),
        pltpu.SemaphoreType.DMA((NBUF,)),
        pltpu.SemaphoreType.DMA((NBUF,)),
        pltpu.SemaphoreType.DMA,
    ],
)
def _copy_kernel(in_hbm, out_hbm, buf0, buf1, tail_buf, in_sems, out_sems, tail_sem):
    sid = lax.axis_index("s")
    wid = lax.axis_index("c") * NUM_SUBCORES + sid
    base = wid * (TILES_PER_WORKER * LANE)
    bufs = (buf0.at[sid], buf1.at[sid])

    def hbm_slice(ref, k):
        start = pl.multiple_of(base + CHUNK_OFFS[k] * LANE, LANE)
        return ref.at[:, pl.ds(start, CHUNK_TILES[k] * LANE)]

    def vmem_buf(k):
        b = bufs[k % NBUF]
        cols = CHUNK_TILES[k] * LANE
        return b if cols == MAXC else b.at[:, :cols]

    def copy_in(k):
        return pltpu.make_async_copy(
            hbm_slice(in_hbm, k), vmem_buf(k), in_sems.at[k % NBUF]
        )

    def copy_out(k):
        return pltpu.make_async_copy(
            vmem_buf(k), hbm_slice(out_hbm, k), out_sems.at[k % NBUF]
        )

    def tail_slice(ref):
        extra = (TILES_PER_WORKER * NUM_WORKERS + wid) * LANE
        start = pl.multiple_of(jnp.where(wid == TAIL_WORKER, TILES * LANE, extra), LANE)
        return ref.at[:, pl.ds(start, LANE)]

    has_tail = wid <= TAIL_WORKER

    pl.when(has_tail)(
        lambda: pltpu.make_async_copy(tail_slice(in_hbm), tail_buf, tail_sem).start()
    )

    for j in range(NBUF):
        copy_in(j).start()
    for k in range(NCHUNKS):
        copy_in(k).wait()
        copy_out(k).start()
        if k + NBUF < NCHUNKS:
            copy_out(k).wait()
            copy_in(k + NBUF).start()
    for k in range(max(0, NCHUNKS - NBUF), NCHUNKS):
        copy_out(k).wait()

    @pl.when(has_tail)
    def _tail():
        pltpu.make_async_copy(tail_slice(in_hbm), tail_buf, tail_sem).wait()
        pltpu.make_async_copy(tail_buf, tail_slice(out_hbm), tail_sem).start()
        pltpu.make_async_copy(tail_buf, tail_slice(out_hbm), tail_sem).wait()


def kernel(embedding):
    return _copy_kernel(embedding.T).T

# --- scband reference (transcript-rebuilt; emitter-appended) ---
"""Pipeline reference for scband-embedding-module-61478161874994 (READ-ONLY COPY).

The authoritative reference and input builder live on the scoring server;
editing this copy changes nothing except your own understanding.
"""

import jax, jax.numpy as jnp
import numpy as np

NUM_EMBEDDINGS = 1000000
EMBEDDING_DIM = 32

def setup_inputs(seed: int = 0) -> dict:
    key = jax.random.key(seed)
    # Learned parameter: embedding table, sized per init_kwargs.
    # flax nn.Embed default init is variance-scaled normal; plain normal is a faithful stand-in.
    embedding = jax.random.normal(key, (NUM_EMBEDDINGS, EMBEDDING_DIM), dtype=jnp.float32) * 0.02
    return {"embedding": embedding}

def reference(embedding):
    # Faithful translation of EmbeddingModule.__call__:
    # returns the embedding of every index 0..num_embeddings-1 (i.e. a full-table gather).
    idx = jnp.arange(0, NUM_EMBEDDINGS)
    return jnp.take(embedding, idx, axis=0)

if __name__ == "__main__":
    import jax
    _d = setup_inputs()
    print(jax.jit(kernel)(*tuple(_d.values())))

</pallas_src>

<mosaic_0001>
#map = affine_map<(d0, d1) -> (0, 0)>
module attributes {stable_mosaic.version = 14 : i64} {
  func.func @_copy_kernel(%arg0: i32, %arg1: i32, %arg2: memref<32x1000000xf32, #tpu.memory_space<hbm>>, %arg3: memref<32x1000000xf32, #tpu.memory_space<hbm>>, %arg4: memref<16x32x1920xf32, #tpu.memory_space<vmem_shared>>, %arg5: memref<16x32x1920xf32, #tpu.memory_space<vmem_shared>>, %arg6: memref<32x128xf32, #tpu.memory_space<vmem>>, %arg7: memref<2x!tpu.dma_semaphore, #tpu.memory_space<semaphore_mem>>, %arg8: memref<2x!tpu.dma_semaphore, #tpu.memory_space<semaphore_mem>>, %arg9: memref<!tpu.dma_semaphore, #tpu.memory_space<semaphore_mem>>) attributes {dimension_semantics = [#tpu.dimension_semantics<core_parallel>, #tpu.dimension_semantics<subcore_parallel>], iteration_bounds = array<i64: 2, 16>, scalar_prefetch = 0 : i64, scratch_operands = 6 : i64, tpu.core_type = #tpu.core_type<sc_vector_subcore>, window_params = [{transform_indices = #map}, {transform_indices = #map}]} {
    %mul3A = arith.constant 16 : i32
    %mul3A_0 = arith.muli %arg0, %mul3A : i32
    %add3A = arith.addi %mul3A_0, %arg1 : i32
    %mul3A_1 = arith.constant 31232 : i32
    %mul3A_2 = arith.muli %add3A, %mul3A_1 : i32
    %le3A = arith.constant 4 : i32
    %le3A_3 = arith.cmpi sle, %add3A, %le3A : i32
    %convert_element_type3A = arith.extui %le3A_3 : i1 to i32
    %cond3A = arith.constant 0 : i32
    %cond3A_4 = arith.cmpi ne, %convert_element_type3A, %cond3A : i32
    scf.if %cond3A_4 {
      %add3A_833 = arith.constant 7808 : i32
      %add3A_834 = arith.addi %add3A_833, %add3A : i32
      %mul3A_835 = arith.constant 128 : i32
      %mul3A_836 = arith.muli %add3A_834, %mul3A_835 : i32
      %eq3A = arith.constant 4 : i32
      %eq3A_837 = arith.cmpi eq, %add3A, %eq3A : i32
      %jit3A = arith.constant 999936 : i32
      %select_n3A = arith.select %eq3A_837, %jit3A, %mul3A_836 : i32
      %multiple_of3A_838 = tpu.assume_multiple %select_n3A, 128 : i32
      %dma_start3A_839 = arith.constant 0 : i32
      %dma_start3A_840 = tpu.memref_slice %arg2[%dma_start3A_839, %multiple_of3A_838] : memref<32x1000000xf32, #tpu.memory_space<hbm>> -> memref<32x128xf32, #tpu.memory_space<hbm>>
      %dma_start3A_841 = arith.constant 0 : i32
      %dma_start3A_842 = tpu.memref_slice %arg2[%dma_start3A_841, %multiple_of3A_838] : memref<32x1000000xf32, #tpu.memory_space<hbm>> -> memref<32x128xf32, #tpu.memory_space<hbm>>
      tpu.enqueue_dma source(%dma_start3A_842 : memref<32x128xf32, #tpu.memory_space<hbm>>) target(%arg6 : memref<32x128xf32, #tpu.memory_space<vmem>>) target_semaphore(%arg9 : memref<!tpu.dma_semaphore, #tpu.memory_space<semaphore_mem>>)
    } else {
    }
    %add3A_5 = arith.constant 0 : i32
    %add3A_6 = arith.addi %mul3A_2, %add3A_5 : i32
    %multiple_of3A = tpu.assume_multiple %add3A_6, 128 : i32
    %dma_start3A = arith.constant 0 : i32
    %dma_start3A_7 = tpu.memref_slice %arg7[%dma_start3A] : memref<2x!tpu.dma_semaphore, #tpu.memory_space<semaphore_mem>> -> memref<1x!tpu.dma_semaphore, #tpu.memory_space<semaphore_mem>>
    %dma_start3A_8 = tpu.memref_squeeze %dma_start3A_7 : memref<1x!tpu.dma_semaphore, #tpu.memory_space<semaphore_mem>> -> memref<!tpu.dma_semaphore, #tpu.memory_space<semaphore_mem>>
    %dma_start3A_9 = arith.constant 0 : i32
    %dma_start3A_10 = arith.constant 0 : i32
    %dma_start3A_11 = tpu.memref_slice %arg4[%arg1, %dma_start3A_9, %dma_start3A_10] : memref<16x32x1920xf32, #tpu.memory_space<vmem_shared>> -> memref<1x32x1920xf32, #tpu.memory_space<vmem_shared>>
    %dma_start3A_12 = tpu.memref_squeeze %dma_start3A_11 : memref<1x32x1920xf32, #tpu.memory_space<vmem_shared>> -> memref<32x1920xf32, #tpu.memory_space<vmem_shared>>
    %dma_start3A_13 = arith.constant 0 : i32
    %dma_start3A_14 = tpu.memref_slice %arg2[%dma_start3A_13, %multiple_of3A] : memref<32x1000000xf32, #tpu.memory_space<hbm>> -> memref<32x1920xf32, #tpu.memory_space<hbm>>
    tpu.enqueue_dma source(%dma_start3A_14 : memref<32x1920xf32, #tpu.memory_space<hbm>>) target(%dma_start3A_12 : memref<32x1920xf32, #tpu.memory_space<vmem_shared>>) target_semaphore(%dma_start3A_8 : memref<!tpu.dma_semaphore, #tpu.memory_space<semaphore_mem>>)
    %add3A_15 = arith.constant 1920 : i32
    %add3A_16 = arith.addi %mul3A_2, %add3A_15 : i32
    %multiple_of3A_17 = tpu.assume_multiple %add3A_16, 128 : i32
    %dma_start3A_18 = arith.constant 1 : i32
    %dma_start3A_19 = tpu.memref_slice %arg7[%dma_start3A_18] : memref<2x!tpu.dma_semaphore, #tpu.memory_space<semaphore_mem>> -> memref<1x!tpu.dma_semaphore, #tpu.memory_space<semaphore_mem>>
    %dma_start3A_20 = tpu.memref_squeeze %dma_start3A_19 : memref<1x!tpu.dma_semaphore, #tpu.memory_space<semaphore_mem>> -> memref<!tpu.dma_semaphore, #tpu.memory_space<semaphore_mem>>
    %dma_start3A_21 = arith.constant 0 : i32
    %dma_start3A_22 = arith.constant 0 : i32
    %dma_start3A_23 = tpu.memref_slice %arg5[%arg1, %dma_start3A_21, %dma_start3A_22] : memref<16x32x1920xf32, #tpu.memory_space<vmem_shared>> -> memref<1x32x1920xf32, #tpu.memory_space<vmem_shared>>
    %dma_start3A_24 = tpu.memref_squeeze %dma_start3A_23 : memref<1x32x1920xf32, #tpu.memory_space<vmem_shared>> -> memref<32x1920xf32, #tpu.memory_space<vmem_shared>>
    %dma_start3A_25 = arith.constant 0 : i32
    %dma_start3A_26 = tpu.memref_slice %arg2[%dma_start3A_25, %multiple_of3A_17] : memref<32x1000000xf32, #tpu.memory_space<hbm>> -> memref<32x1920xf32, #tpu.memory_space<hbm>>
    tpu.enqueue_dma source(%dma_start3A_26 : memref<32x1920xf32, #tpu.memory_space<hbm>>) target(%dma_start3A_24 : memref<32x1920xf32, #tpu.memory_space<vmem_shared>>) target_semaphore(%dma_start3A_20 : memref<!tpu.dma_semaphore, #tpu.memory_space<semaphore_mem>>)
    %add3A_27 = arith.constant 0 : i32
    %add3A_28 = arith.addi %mul3A_2, %add3A_27 : i32
    %multiple_of3A_29 = tpu.assume_multiple %add3A_28, 128 : i32
    %dma_wait3A = arith.constant 0 : i32
    %dma_wait3A_30 = tpu.memref_slice %arg7[%dma_wait3A] : memref<2x!tpu.dma_semaphore, #tpu.memory_space<semaphore_mem>> -> memref<1x!tpu.dma_semaphore, #tpu.memory_space<semaphore_mem>>
    %dma_wait3A_31 = tpu.memref_squeeze %dma_wait3A_30 : memref<1x!tpu.dma_semaphore, #tpu.memory_space<semaphore_mem>> -> memref<!tpu.dma_semaphore, #tpu.memory_space<semaphore_mem>>
    %dma_wait3A_32 = arith.constant 0 : i32
    %dma_wait3A_33 = arith.constant 0 : i32
    %dma_wait3A_34 = tpu.memref_slice %arg4[%arg1, %dma_wait3A_32, %dma_wait3A_33] : memref<16x32x1920xf32, #tpu.memory_space<vmem_shared>> -> memref<1x32x1920xf32, #tpu.memory_space<vmem_shared>>
    %dma_wait3A_35 = tpu.memref_squeeze %dma_wait3A_34 : memref<1x32x1920xf32, #tpu.memory_space<vmem_shared>> -> memref<32x1920xf32, #tpu.memory_space<vmem_shared>>
    %dma_wait3A_36 = arith.constant 0 : i32
    %dma_wait3A_37 = tpu.memref_slice %arg2[%dma_wait3A_36, %multiple_of3A_29] : memref<32x1000000xf32, #tpu.memory_space<hbm>> -> memref<32x1920xf32, #tpu.memory_space<hbm>>
    tpu.wait_dma2 semaphore(%dma_wait3A_31 : memref<!tpu.dma_semaphore, #tpu.memory_space<semaphore_mem>>) src(%dma_wait3A_37 : memref<32x1920xf32, #tpu.memory_space<hbm>>) dst(%dma_wait3A_35 : memref<32x1920xf32, #tpu.memory_space<vmem_shared>>)
    %add3A_38 = arith.constant 0 : i32
    %add3A_39 = arith.addi %mul3A_2, %add3A_38 : i32
    %multiple_of3A_40 = tpu.assume_multiple %add3A_39, 128 : i32
    %dma_start3A_41 = arith.constant 0 : i32
    %dma_start3A_42 = tpu.memref_slice %arg8[%dma_start3A_41] : memref<2x!tpu.dma_semaphore, #tpu.memory_space<semaphore_mem>> -> memref<1x!tpu.dma_semaphore, #tpu.memory_space<semaphore_mem>>
    %dma_start3A_43 = tpu.memref_squeeze %dma_start3A_42 : memref<1x!tpu.dma_semaphore, #tpu.memory_space<semaphore_mem>> -> memref<!tpu.dma_semaphore, #tpu.memory_space<semaphore_mem>>
    %dma_start3A_44 = arith.constant 0 : i32
    %dma_start3A_45 = tpu.memref_slice %arg3[%dma_start3A_44, %multiple_of3A_40] : memref<32x1000000xf32, #tpu.memory_space<hbm>> -> memref<32x1920xf32, #tpu.memory_space<hbm>>
    %dma_start3A_46 = arith.constant 0 : i32
    %dma_start3A_47 = arith.constant 0 : i32
    %dma_start3A_48 = tpu.memref_slice %arg4[%arg1, %dma_start3A_46, %dma_start3A_47] : memref<16x32x1920xf32, #tpu.memory_space<vmem_shared>> -> memref<1x32x1920xf32, #tpu.memory_space<vmem_shared>>
    %dma_start3A_49 = tpu.memref_squeeze %dma_start3A_48 : memref<1x32x1920xf32, #tpu.memory_space<vmem_shared>> -> memref<32x1920xf32, #tpu.memory_space<vmem_shared>>
    tpu.enqueue_dma source(%dma_start3A_49 : memref<32x1920xf32, #tpu.memory_space<vmem_shared>>) target(%dma_start3A_45 : memref<32x1920xf32, #tpu.memory_space<hbm>>) target_semaphore(%dma_start3A_43 : memref<!tpu.dma_semaphore, #tpu.memory_space<semaphore_mem>>)
    %add3A_50 = arith.constant 0 : i32
    %add3A_51 = arith.addi %mul3A_2, %add3A_50 : i32
    %multiple_of3A_52 = tpu.assume_multiple %add3A_51, 128 : i32
    %dma_wait3A_53 = arith.constant 0 : i32
    %dma_wait3A_54 = tpu.memref_slice %arg8[%dma_wait3A_53] : memref<2x!tpu.dma_semaphore, #tpu.memory_space<semaphore_mem>> -> memref<1x!tpu.dma_semaphore, #tpu.memory_space<semaphore_mem>>
    %dma_wait3A_55 = tpu.memref_squeeze %dma_wait3A_54 : memref<1x!tpu.dma_semaphore, #tpu.memory_space<semaphore_mem>> -> memref<!tpu.dma_semaphore, #tpu.memory_space<semaphore_mem>>
    %dma_wait3A_56 = arith.constant 0 : i32
    %dma_wait3A_57 = tpu.memref_slice %arg3[%dma_wait3A_56, %multiple_of3A_52] : memref<32x1000000xf32, #tpu.memory_space<hbm>> -> memref<32x1920xf32, #tpu.memory_space<hbm>>
    %dma_wait3A_58 = arith.constant 0 : i32
    %dma_wait3A_59 = arith.constant 0 : i32
    %dma_wait3A_60 = tpu.memref_slice %arg4[%arg1, %dma_wait3A_58, %dma_wait3A_59] : memref<16x32x1920xf32, #tpu.memory_space<vmem_shared>> -> memref<1x32x1920xf32, #tpu.memory_space<vmem_shared>>
    %dma_wait3A_61 = tpu.memref_squeeze %dma_wait3A_60 : memref<1x32x1920xf32, #tpu.memory_space<vmem_shared>> -> memref<32x1920xf32, #tpu.memory_space<vmem_shared>>
    tpu.wait_dma2 semaphore(%dma_wait3A_55 : memref<!tpu.dma_semaphore, #tpu.memory_space<semaphore_mem>>) src(%dma_wait3A_61 : memref<32x1920xf32, #tpu.memory_space<vmem_shared>>) dst(%dma_wait3A_57 : memref<32x1920xf32, #tpu.memory_space<hbm>>)
    %add3A_62 = arith.constant 3840 : i32
    %add3A_63 = arith.addi %mul3A_2, %add3A_62 : i32
    %multiple_of3A_64 = tpu.assume_multiple %add3A_63, 128 : i32
    %dma_start3A_65 = arith.constant 0 : i32
    %dma_start3A_66 = tpu.memref_slice %arg7[%dma_start3A_65] : memref<2x!tpu.dma_semaphore, #tpu.memory_space<semaphore_mem>> -> memref<1x!tpu.dma_semaphore, #tpu.memory_space<semaphore_mem>>
    %dma_start3A_67 = tpu.memref_squeeze %dma_start3A_66 : memref<1x!tpu.dma_semaphore, #tpu.memory_space<semaphore_mem>> -> memref<!tpu.dma_semaphore, #tpu.memory_space<semaphore_mem>>
    %dma_start3A_68 = arith.constant 0 : i32
    %dma_start3A_69 = arith.constant 0 : i32
    %dma_start3A_70 = tpu.memref_slice %arg4[%arg1, %dma_start3A_68, %dma_start3A_69] : memref<16x32x1920xf32, #tpu.memory_space<vmem_shared>> -> memref<1x32x1920xf32, #tpu.memory_space<vmem_shared>>
    %dma_start3A_71 = tpu.memref_squeeze %dma_start3A_70 : memref<1x32x1920xf32, #tpu.memory_space<vmem_shared>> -> memref<32x1920xf32, #tpu.memory_space<vmem_shared>>
    %dma_start3A_72 = arith.constant 0 : i32
    %dma_start3A_73 = tpu.memref_slice %arg2[%dma_start3A_72, %multiple_of3A_64] : memref<32x1000000xf32, #tpu.memory_space<hbm>> -> memref<32x1920xf32, #tpu.memory_space<hbm>>
    tpu.enqueue_dma source(%dma_start3A_73 : memref<32x1920xf32, #tpu.memory_space<hbm>>) target(%dma_start3A_71 : memref<32x1920xf32, #tpu.memory_space<vmem_shared>>) target_semaphore(%dma_start3A_67 : memref<!tpu.dma_semaphore, #tpu.memory_space<semaphore_mem>>)
    %add3A_74 = arith.constant 1920 : i32
    %add3A_75 = arith.addi %mul3A_2, %add3A_74 : i32
    %multiple_of3A_76 = tpu.assume_multiple %add3A_75, 128 : i32
    %dma_wait3A_77 = arith.constant 1 : i32
    %dma_wait3A_78 = tpu.memref_slice %arg7[%dma_wait3A_77] : memref<2x!tpu.dma_semaphore, #tpu.memory_space<semaphore_mem>> -> memref<1x!tpu.dma_semaphore, #tpu.memory_space<semaphore_mem>>
    %dma_wait3A_79 = tpu.memref_squeeze %dma_wait3A_78 : memref<1x!tpu.dma_semaphore, #tpu.memory_space<semaphore_mem>> -> memref<!tpu.dma_semaphore, #tpu.memory_space<semaphore_mem>>
    %dma_wait3A_80 = arith.constant 0 : i32
    %dma_wait3A_81 = arith.constant 0 : i32
    %dma_wait3A_82 = tpu.memref_slice %arg5[%arg1, %dma_wait3A_80, %dma_wait3A_81] : memref<16x32x1920xf32, #tpu.memory_space<vmem_shared>> -> memref<1x32x1920xf32, #tpu.memory_space<vmem_shared>>
    %dma_wait3A_83 = tpu.memref_squeeze %dma_wait3A_82 : memref<1x32x1920xf32, #tpu.memory_space<vmem_shared>> -> memref<32x1920xf32, #tpu.memory_space<vmem_shared>>
    %dma_wait3A_84 = arith.constant 0 : i32
    %dma_wait3A_85 = tpu.memref_slice %arg2[%dma_wait3A_84, %multiple_of3A_76] : memref<32x1000000xf32, #tpu.memory_space<hbm>> -> memref<32x1920xf32, #tpu.memory_space<hbm>>
    tpu.wait_dma2 semaphore(%dma_wait3A_79 : memref<!tpu.dma_semaphore, #tpu.memory_space<semaphore_mem>>) src(%dma_wait3A_85 : memref<32x1920xf32, #tpu.memory_space<hbm>>) dst(%dma_wait3A_83 : memref<32x1920xf32, #tpu.memory_space<vmem_shared>>)
    %add3A_86 = arith.constant 1920 : i32
    %add3A_87 = arith.addi %mul3A_2, %add3A_86 : i32
    %multiple_of3A_88 = tpu.assume_multiple %add3A_87, 128 : i32
    %dma_start3A_89 = arith.constant 1 : i32
    %dma_start3A_90 = tpu.memref_slice %arg8[%dma_start3A_89] : memref<2x!tpu.dma_semaphore, #tpu.memory_space<semaphore_mem>> -> memref<1x!tpu.dma_semaphore, #tpu.memory_space<semaphore_mem>>
    %dma_start3A_91 = tpu.memref_squeeze %dma_start3A_90 : memref<1x!tpu.dma_semaphore, #tpu.memory_space<semaphore_mem>> -> memref<!tpu.dma_semaphore, #tpu.memory_space<semaphore_mem>>
    %dma_start3A_92 = arith.constant 0 : i32
    %dma_start3A_93 = tpu.memref_slice %arg3[%dma_start3A_92, %multiple_of3A_88] : memref<32x1000000xf32, #tpu.memory_space<hbm>> -> memref<32x1920xf32, #tpu.memory_space<hbm>>
    %dma_start3A_94 = arith.constant 0 : i32
    %dma_start3A_95 = arith.constant 0 : i32
    %dma_start3A_96 = tpu.memref_slice %arg5[%arg1, %dma_start3A_94, %dma_start3A_95] : memref<16x32x1920xf32, #tpu.memory_space<vmem_shared>> -> memref<1x32x1920xf32, #tpu.memory_space<vmem_shared>>
    %dma_start3A_97 = tpu.memref_squeeze %dma_start3A_96 : memref<1x32x1920xf32, #tpu.memory_space<vmem_shared>> -> memref<32x1920xf32, #tpu.memory_space<vmem_shared>>
    tpu.enqueue_dma source(%dma_start3A_97 : memref<32x1920xf32, #tpu.memory_space<vmem_shared>>) target(%dma_start3A_93 : memref<32x1920xf32, #tpu.memory_space<hbm>>) target_semaphore(%dma_start3A_91 : memref<!tpu.dma_semaphore, #tpu.memory_space<semaphore_mem>>)
    %add3A_98 = arith.constant 1920 : i32
    %add3A_99 = arith.addi %mul3A_2, %add3A_98 : i32
    %multiple_of3A_100 = tpu.assume_multiple %add3A_99, 128 : i32
    %dma_wait3A_101 = arith.constant 1 : i32
    %dma_wait3A_102 = tpu.memref_slice %arg8[%dma_wait3A_101] : memref<2x!tpu.dma_semaphore, #tpu.memory_space<semaphore_mem>> -> memref<1x!tpu.dma_semaphore, #tpu.memory_space<semaphore_mem>>
    %dma_wait3A_103 = tpu.memref_squeeze %dma_wait3A_102 : memref<1x!tpu.dma_semaphore, #tpu.memory_space<semaphore_mem>> -> memref<!tpu.dma_semaphore, #tpu.memory_space<semaphore_mem>>
    %dma_wait3A_104 = arith.constant 0 : i32
    %dma_wait3A_105 = tpu.memref_slice %arg3[%dma_wait3A_104, %multiple_of3A_100] : memref<32x1000000xf32, #tpu.memory_space<hbm>> -> memref<32x1920xf32, #tpu.memory_space<hbm>>
    %dma_wait3A_106 = arith.constant 0 : i32
    %dma_wait3A_107 = arith.constant 0 : i32
    %dma_wait3A_108 = tpu.memref_slice %arg5[%arg1, %dma_wait3A_106, %dma_wait3A_107] : memref<16x32x1920xf32, #tpu.memory_space<vmem_shared>> -> memref<1x32x1920xf32, #tpu.memory_space<vmem_shared>>
    %dma_wait3A_109 = tpu.memref_squeeze %dma_wait3A_108 : memref<1x32x1920xf32, #tpu.memory_space<vmem_shared>> -> memref<32x1920xf32, #tpu.memory_space<vmem_shared>>
    tpu.wait_dma2 semaphore(%dma_wait3A_103 : memref<!tpu.dma_semaphore, #tpu.memory_space<semaphore_mem>>) src(%dma_wait3A_109 : memref<32x1920xf32, #tpu.memory_space<vmem_shared>>) dst(%dma_wait3A_105 : memref<32x1920xf32, #tpu.memory_space<hbm>>)
    %add3A_110 = arith.constant 5760 : i32
    %add3A_111 = arith.addi %mul3A_2, %add3A_110 : i32
    %multiple_of3A_112 = tpu.assume_multiple %add3A_111, 128 : i32
    %dma_start3A_113 = arith.constant 1 : i32
    %dma_start3A_114 = tpu.memref_slice %arg7[%dma_start3A_113] : memref<2x!tpu.dma_semaphore, #tpu.memory_space<semaphore_mem>> -> memref<1x!tpu.dma_semaphore, #tpu.memory_space<semaphore_mem>>
    %dma_start3A_115 = tpu.memref_squeeze %dma_start3A_114 : memref<1x!tpu.dma_semaphore, #tpu.memory_space<semaphore_mem>> -> memref<!tpu.dma_semaphore, #tpu.memory_space<semaphore_mem>>
    %dma_start3A_116 = arith.constant 0 : i32
    %dma_start3A_117 = arith.constant 0 : i32
    %dma_start3A_118 = tpu.memref_slice %arg5[%arg1, %dma_start3A_116, %dma_start3A_117] : memref<16x32x1920xf32, #tpu.memory_space<vmem_shared>> -> memref<1x32x1920xf32, #tpu.memory_space<vmem_shared>>
    %dma_start3A_119 = tpu.memref_squeeze %dma_start3A_118 : memref<1x32x1920xf32, #tpu.memory_space<vmem_shared>> -> memref<32x1920xf32, #tpu.memory_space<vmem_shared>>
    %dma_start3A_120 = arith.constant 0 : i32
    %dma_start3A_121 = tpu.memref_slice %arg2[%dma_start3A_120, %multiple_of3A_112] : memref<32x1000000xf32, #tpu.memory_space<hbm>> -> memref<32x1920xf32, #tpu.memory_space<hbm>>
    tpu.enqueue_dma source(%dma_start3A_121 : memref<32x1920xf32, #tpu.memory_space<hbm>>) target(%dma_start3A_119 : memref<32x1920xf32, #tpu.memory_space<vmem_shared>>) target_semaphore(%dma_start3A_115 : memref<!tpu.dma_semaphore, #tpu.memory_space<semaphore_mem>>)
    %add3A_122 = arith.constant 3840 : i32
    %add3A_123 = arith.addi %mul3A_2, %add3A_122 : i32
    %multiple_of3A_124 = tpu.assume_multiple %add3A_123, 128 : i32
    %dma_wait3A_125 = arith.constant 0 : i32
    %dma_wait3A_126 = tpu.memref_slice %arg7[%dma_wait3A_125] : memref<2x!tpu.dma_semaphore, #tpu.memory_space<semaphore_mem>> -> memref<1x!tpu.dma_semaphore, #tpu.memory_space<semaphore_mem>>
    %dma_wait3A_127 = tpu.memref_squeeze %dma_wait3A_126 : memref<1x!tpu.dma_semaphore, #tpu.memory_space<semaphore_mem>> -> memref<!tpu.dma_semaphore, #tpu.memory_space<semaphore_mem>>
    %dma_wait3A_128 = arith.constant 0 : i32
    %dma_wait3A_129 = arith.constant 0 : i32
    %dma_wait3A_130 = tpu.memref_slice %arg4[%arg1, %dma_wait3A_128, %dma_wait3A_129] : memref<16x32x1920xf32, #tpu.memory_space<vmem_shared>> -> memref<1x32x1920xf32, #tpu.memory_space<vmem_shared>>
    %dma_wait3A_131 = tpu.memref_squeeze %dma_wait3A_130 : memref<1x32x1920xf32, #tpu.memory_space<vmem_shared>> -> memref<32x1920xf32, #tpu.memory_space<vmem_shared>>
    %dma_wait3A_132 = arith.constant 0 : i32
    %dma_wait3A_133 = tpu.memref_slice %arg2[%dma_wait3A_132, %multiple_of3A_124] : memref<32x1000000xf32, #tpu.memory_space<hbm>> -> memref<32x1920xf32, #tpu.memory_space<hbm>>
    tpu.wait_dma2 semaphore(%dma_wait3A_127 : memref<!tpu.dma_semaphore, #tpu.memory_space<semaphore_mem>>) src(%dma_wait3A_133 : memref<32x1920xf32, #tpu.memory_space<hbm>>) dst(%dma_wait3A_131 : memref<32x1920xf32, #tpu.memory_space<vmem_shared>>)
    %add3A_134 = arith.constant 3840 : i32
    %add3A_135 = arith.addi %mul3A_2, %add3A_134 : i32
    %multiple_of3A_136 = tpu.assume_multiple %add3A_135, 128 : i32
    %dma_start3A_137 = arith.constant 0 : i32
    %dma_start3A_138 = tpu.memref_slice %arg8[%dma_start3A_137] : memref<2x!tpu.dma_semaphore, #tpu.memory_space<semaphore_mem>> -> memref<1x!tpu.dma_semaphore, #tpu.memory_space<semaphore_mem>>
    %dma_start3A_139 = tpu.memref_squeeze %dma_start3A_138 : memref<1x!tpu.dma_semaphore, #tpu.memory_space<semaphore_mem>> -> memref<!tpu.dma_semaphore, #tpu.memory_space<semaphore_mem>>
    %dma_start3A_140 = arith.constant 0 : i32
    %dma_start3A_141 = tpu.memref_slice %arg3[%dma_start3A_140, %multiple_of3A_136] : memref<32x1000000xf32, #tpu.memory_space<hbm>> -> memref<32x1920xf32, #tpu.memory_space<hbm>>
    %dma_start3A_142 = arith.constant 0 : i32
    %dma_start3A_143 = arith.constant 0 : i32
    %dma_start3A_144 = tpu.memref_slice %arg4[%arg1, %dma_start3A_142, %dma_start3A_143] : memref<16x32x1920xf32, #tpu.memory_space<vmem_shared>> -> memref<1x32x1920xf32, #tpu.memory_space<vmem_shared>>
    %dma_start3A_145 = tpu.memref_squeeze %dma_start3A_144 : memref<1x32x1920xf32, #tpu.memory_space<vmem_shared>> -> memref<32x1920xf32, #tpu.memory_space<vmem_shared>>
    tpu.enqueue_dma source(%dma_start3A_145 : memref<32x1920xf32, #tpu.memory_space<vmem_shared>>) target(%dma_start3A_141 : memref<32x1920xf32, #tpu.memory_space<hbm>>) target_semaphore(%dma_start3A_139 : memref<!tpu.dma_semaphore, #tpu.memory_space<semaphore_mem>>)
    %add3A_146 = arith.constant 3840 : i32
    %add3A_147 = arith.addi %mul3A_2, %add3A_146 : i32
    %multiple_of3A_148 = tpu.assume_multiple %add3A_147, 128 : i32
    %dma_wait3A_149 = arith.constant 0 : i32
    %dma_wait3A_150 = tpu.memref_slice %arg8[%dma_wait3A_149] : memref<2x!tpu.dma_semaphore, #tpu.memory_space<semaphore_mem>> -> memref<1x!tpu.dma_semaphore, #tpu.memory_space<semaphore_mem>>
    %dma_wait3A_151 = tpu.memref_squeeze %dma_wait3A_150 : memref<1x!tpu.dma_semaphore, #tpu.memory_space<semaphore_mem>> -> memref<!tpu.dma_semaphore, #tpu.memory_space<semaphore_mem>>
    %dma_wait3A_152 = arith.constant 0 : i32
    %dma_wait3A_153 = tpu.memref_slice %arg3[%dma_wait3A_152, %multiple_of3A_148] : memref<32x1000000xf32, #tpu.memory_space<hbm>> -> memref<32x1920xf32, #tpu.memory_space<hbm>>
    %dma_wait3A_154 = arith.constant 0 : i32
    %dma_wait3A_155 = arith.constant 0 : i32
    %dma_wait3A_156 = tpu.memref_slice %arg4[%arg1, %dma_wait3A_154, %dma_wait3A_155] : memref<16x32x1920xf32, #tpu.memory_space<vmem_shared>> -> memref<1x32x1920xf32, #tpu.memory_space<vmem_shared>>
    %dma_wait3A_157 = tpu.memref_squeeze %dma_wait3A_156 : memref<1x32x1920xf32, #tpu.memory_space<vmem_shared>> -> memref<32x1920xf32, #tpu.memory_space<vmem_shared>>
    tpu.wait_dma2 semaphore(%dma_wait3A_151 : memref<!tpu.dma_semaphore, #tpu.memory_space<semaphore_mem>>) src(%dma_wait3A_157 : memref<32x1920xf32, #tpu.memory_space<vmem_shared>>) dst(%dma_wait3A_153 : memref<32x1920xf32, #tpu.memory_space<hbm>>)
    %add3A_158 = arith.constant 7680 : i32
    %add3A_159 = arith.addi %mul3A_2, %add3A_158 : i32
    %multiple_of3A_160 = tpu.assume_multiple %add3A_159, 128 : i32
    %dma_start3A_161 = arith.constant 0 : i32
    %dma_start3A_162 = tpu.memref_slice %arg7[%dma_start3A_161] : memref<2x!tpu.dma_semaphore, #tpu.memory_space<semaphore_mem>> -> memref<1x!tpu.dma_semaphore, #tpu.memory_space<semaphore_mem>>
    %dma_start3A_163 = tpu.memref_squeeze %dma_start3A_162 : memref<1x!tpu.dma_semaphore, #tpu.memory_space<semaphore_mem>> -> memref<!tpu.dma_semaphore, #tpu.memory_space<semaphore_mem>>
    %dma_start3A_164 = arith.constant 0 : i32
    %dma_start3A_165 = arith.constant 0 : i32
    %dma_start3A_166 = tpu.memref_slice %arg4[%arg1, %dma_start3A_164, %dma_start3A_165] : memref<16x32x1920xf32, #tpu.memory_space<vmem_shared>> -> memref<1x32x1920xf32, #tpu.memory_space<vmem_shared>>
    %dma_start3A_167 = tpu.memref_squeeze %dma_start3A_166 : memref<1x32x1920xf32, #tpu.memory_space<vmem_shared>> -> memref<32x1920xf32, #tpu.memory_space<vmem_shared>>
    %dma_start3A_168 = arith.constant 0 : i32
    %dma_start3A_169 = tpu.memref_slice %arg2[%dma_start3A_168, %multiple_of3A_160] : memref<32x1000000xf32, #tpu.memory_space<hbm>> -> memref<32x1920xf32, #tpu.memory_space<hbm>>
    tpu.enqueue_dma source(%dma_start3A_169 : memref<32x1920xf32, #tpu.memory_space<hbm>>) target(%dma_start3A_167 : memref<32x1920xf32, #tpu.memory_space<vmem_shared>>) target_semaphore(%dma_start3A_163 : memref<!tpu.dma_semaphore, #tpu.memory_space<semaphore_mem>>)
    %add3A_170 = arith.constant 5760 : i32
    %add3A_171 = arith.addi %mul3A_2, %add3A_170 : i32
    %multiple_of3A_172 = tpu.assume_multiple %add3A_171, 128 : i32
    %dma_wait3A_173 = arith.constant 1 : i32
    %dma_wait3A_174 = tpu.memref_slice %arg7[%dma_wait3A_173] : memref<2x!tpu.dma_semaphore, #tpu.memory_space<semaphore_mem>> -> memref<1x!tpu.dma_semaphore, #tpu.memory_space<semaphore_mem>>
    %dma_wait3A_175 = tpu.memref_squeeze %dma_wait3A_174 : memref<1x!tpu.dma_semaphore, #tpu.memory_space<semaphore_mem>> -> memref<!tpu.dma_semaphore, #tpu.memory_space<semaphore_mem>>
    %dma_wait3A_176 = arith.constant 0 : i32
    %dma_wait3A_177 = arith.constant 0 : i32
    %dma_wait3A_178 = tpu.memref_slice %arg5[%arg1, %dma_wait3A_176, %dma_wait3A_177] : memref<16x32x1920xf32, #tpu.memory_space<vmem_shared>> -> memref<1x32x1920xf32, #tpu.memory_space<vmem_shared>>
    %dma_wait3A_179 = tpu.memref_squeeze %dma_wait3A_178 : memref<1x32x1920xf32, #tpu.memory_space<vmem_shared>> -> memref<32x1920xf32, #tpu.memory_space<vmem_shared>>
    %dma_wait3A_180 = arith.constant 0 : i32
    %dma_wait3A_181 = tpu.memref_slice %arg2[%dma_wait3A_180, %multiple_of3A_172] : memref<32x1000000xf32, #tpu.memory_space<hbm>> -> memref<32x1920xf32, #tpu.memory_space<hbm>>
    tpu.wait_dma2 semaphore(%dma_wait3A_175 : memref<!tpu.dma_semaphore, #tpu.memory_space<semaphore_mem>>) src(%dma_wait3A_181 : memref<32x1920xf32, #tpu.memory_space<hbm>>) dst(%dma_wait3A_179 : memref<32x1920xf32, #tpu.memory_space<vmem_shared>>)
    %add3A_182 = arith.constant 5760 : i32
    %add3A_183 = arith.addi %mul3A_2, %add3A_182 : i32
    %multiple_of3A_184 = tpu.assume_multiple %add3A_183, 128 : i32
    %dma_start3A_185 = arith.constant 1 : i32
    %dma_start3A_186 = tpu.memref_slice %arg8[%dma_start3A_185] : memref<2x!tpu.dma_semaphore, #tpu.memory_space<semaphore_mem>> -> memref<1x!tpu.dma_semaphore, #tpu.memory_space<semaphore_mem>>
    %dma_start3A_187 = tpu.memref_squeeze %dma_start3A_186 : memref<1x!tpu.dma_semaphore, #tpu.memory_space<semaphore_mem>> -> memref<!tpu.dma_semaphore, #tpu.memory_space<semaphore_mem>>
    %dma_start3A_188 = arith.constant 0 : i32
    %dma_start3A_189 = tpu.memref_slice %arg3[%dma_start3A_188, %multiple_of3A_184] : memref<32x1000000xf32, #tpu.memory_space<hbm>> -> memref<32x1920xf32, #tpu.memory_space<hbm>>
    %dma_start3A_190 = arith.constant 0 : i32
    %dma_start3A_191 = arith.constant 0 : i32
    %dma_start3A_192 = tpu.memref_slice %arg5[%arg1, %dma_start3A_190, %dma_start3A_191] : memref<16x32x1920xf32, #tpu.memory_space<vmem_shared>> -> memref<1x32x1920xf32, #tpu.memory_space<vmem_shared>>
    %dma_start3A_193 = tpu.memref_squeeze %dma_start3A_192 : memref<1x32x1920xf32, #tpu.memory_space<vmem_shared>> -> memref<32x1920xf32, #tpu.memory_space<vmem_shared>>
    tpu.enqueue_dma source(%dma_start3A_193 : memref<32x1920xf32, #tpu.memory_space<vmem_shared>>) target(%dma_start3A_189 : memref<32x1920xf32, #tpu.memory_space<hbm>>) target_semaphore(%dma_start3A_187 : memref<!tpu.dma_semaphore, #tpu.memory_space<semaphore_mem>>)
    %add3A_194 = arith.constant 5760 : i32
    %add3A_195 = arith.addi %mul3A_2, %add3A_194 : i32
    %multiple_of3A_196 = tpu.assume_multiple %add3A_195, 128 : i32
    %dma_wait3A_197 = arith.constant 1 : i32
    %dma_wait3A_198 = tpu.memref_slice %arg8[%dma_wait3A_197] : memref<2x!tpu.dma_semaphore, #tpu.memory_space<semaphore_mem>> -> memref<1x!tpu.dma_semaphore, #tpu.memory_space<semaphore_mem>>
    %dma_wait3A_199 = tpu.memref_squeeze %dma_wait3A_198 : memref<1x!tpu.dma_semaphore, #tpu.memory_space<semaphore_mem>> -> memref<!tpu.dma_semaphore, #tpu.memory_space<semaphore_mem>>
    %dma_wait3A_200 = arith.constant 0 : i32
    %dma_wait3A_201 = tpu.memref_slice %arg3[%dma_wait3A_200, %multiple_of3A_196] : memref<32x1000000xf32, #tpu.memory_space<hbm>> -> memref<32x1920xf32, #tpu.memory_space<hbm>>
    %dma_wait3A_202 = arith.constant 0 : i32
    %dma_wait3A_203 = arith.constant 0 : i32
    %dma_wait3A_204 = tpu.memref_slice %arg5[%arg1, %dma_wait3A_202, %dma_wait3A_203] : memref<16x32x1920xf32, #tpu.memory_space<vmem_shared>> -> memref<1x32x1920xf32, #tpu.memory_space<vmem_shared>>
    %dma_wait3A_205 = tpu.memref_squeeze %dma_wait3A_204 : memref<1x32x1920xf32, #tpu.memory_space<vmem_shared>> -> memref<32x1920xf32, #tpu.memory_space<vmem_shared>>
    tpu.wait_dma2 semaphore(%dma_wait3A_199 : memref<!tpu.dma_semaphore, #tpu.memory_space<semaphore_mem>>) src(%dma_wait3A_205 : memref<32x1920xf32, #tpu.memory_space<vmem_shared>>) dst(%dma_wait3A_201 : memref<32x1920xf32, #tpu.memory_space<hbm>>)
    %add3A_206 = arith.constant 9600 : i32
    %add3A_207 = arith.addi %mul3A_2, %add3A_206 : i32
    %multiple_of3A_208 = tpu.assume_multiple %add3A_207, 128 : i32
    %dma_start3A_209 = arith.constant 1 : i32
    %dma_start3A_210 = tpu.memref_slice %arg7[%dma_start3A_209] : memref<2x!tpu.dma_semaphore, #tpu.memory_space<semaphore_mem>> -> memref<1x!tpu.dma_semaphore, #tpu.memory_space<semaphore_mem>>
    %dma_start3A_211 = tpu.memref_squeeze %dma_start3A_210 : memref<1x!tpu.dma_semaphore, #tpu.memory_space<semaphore_mem>> -> memref<!tpu.dma_semaphore, #tpu.memory_space<semaphore_mem>>
    %dma_start3A_212 = arith.constant 0 : i32
    %dma_start3A_213 = arith.constant 0 : i32
    %dma_start3A_214 = tpu.memref_slice %arg5[%arg1, %dma_start3A_212, %dma_start3A_213] : memref<16x32x1920xf32, #tpu.memory_space<vmem_shared>> -> memref<1x32x1920xf32, #tpu.memory_space<vmem_shared>>
    %dma_start3A_215 = tpu.memref_squeeze %dma_start3A_214 : memref<1x32x1920xf32, #tpu.memory_space<vmem_shared>> -> memref<32x1920xf32, #tpu.memory_space<vmem_shared>>
    %dma_start3A_216 = arith.constant 0 : i32
    %dma_start3A_217 = tpu.memref_slice %arg2[%dma_start3A_216, %multiple_of3A_208] : memref<32x1000000xf32, #tpu.memory_space<hbm>> -> memref<32x1920xf32, #tpu.memory_space<hbm>>
    tpu.enqueue_dma source(%dma_start3A_217 : memref<32x1920xf32, #tpu.memory_space<hbm>>) target(%dma_start3A_215 : memref<32x1920xf32, #tpu.memory_space<vmem_shared>>) target_semaphore(%dma_start3A_211 : memref<!tpu.dma_semaphore, #tpu.memory_space<semaphore_mem>>)
    %add3A_218 = arith.constant 7680 : i32
    %add3A_219 = arith.addi %mul3A_2, %add3A_218 : i32
    %multiple_of3A_220 = tpu.assume_multiple %add3A_219, 128 : i32
    %dma_wait3A_221 = arith.constant 0 : i32
    %dma_wait3A_222 = tpu.memref_slice %arg7[%dma_wait3A_221] : memref<2x!tpu.dma_semaphore, #tpu.memory_space<semaphore_mem>> -> memref<1x!tpu.dma_semaphore, #tpu.memory_space<semaphore_mem>>
    %dma_wait3A_223 = tpu.memref_squeeze %dma_wait3A_222 : memref<1x!tpu.dma_semaphore, #tpu.memory_space<semaphore_mem>> -> memref<!tpu.dma_semaphore, #tpu.memory_space<semaphore_mem>>
    %dma_wait3A_224 = arith.constant 0 : i32
    %dma_wait3A_225 = arith.constant 0 : i32
    %dma_wait3A_226 = tpu.memref_slice %arg4[%arg1, %dma_wait3A_224, %dma_wait3A_225] : memref<16x32x1920xf32, #tpu.memory_space<vmem_shared>> -> memref<1x32x1920xf32, #tpu.memory_space<vmem_shared>>
    %dma_wait3A_227 = tpu.memref_squeeze %dma_wait3A_226 : memref<1x32x1920xf32, #tpu.memory_space<vmem_shared>> -> memref<32x1920xf32, #tpu.memory_space<vmem_shared>>
    %dma_wait3A_228 = arith.constant 0 : i32
    %dma_wait3A_229 = tpu.memref_slice %arg2[%dma_wait3A_228, %multiple_of3A_220] : memref<32x1000000xf32, #tpu.memory_space<hbm>> -> memref<32x1920xf32, #tpu.memory_space<hbm>>
    tpu.wait_dma2 semaphore(%dma_wait3A_223 : memref<!tpu.dma_semaphore, #tpu.memory_space<semaphore_mem>>) src(%dma_wait3A_229 : memref<32x1920xf32, #tpu.memory_space<hbm>>) dst(%dma_wait3A_227 : memref<32x1920xf32, #tpu.memory_space<vmem_shared>>)
    %add3A_230 = arith.constant 7680 : i32
    %add3A_231 = arith.addi %mul3A_2, %add3A_230 : i32
    %multiple_of3A_232 = tpu.assume_multiple %add3A_231, 128 : i32
    %dma_start3A_233 = arith.constant 0 : i32
    %dma_start3A_234 = tpu.memref_slice %arg8[%dma_start3A_233] : memref<2x!tpu.dma_semaphore, #tpu.memory_space<semaphore_mem>> -> memref<1x!tpu.dma_semaphore, #tpu.memory_space<semaphore_mem>>
    %dma_start3A_235 = tpu.memref_squeeze %dma_start3A_234 : memref<1x!tpu.dma_semaphore, #tpu.memory_space<semaphore_mem>> -> memref<!tpu.dma_semaphore, #tpu.memory_space<semaphore_mem>>
    %dma_start3A_236 = arith.constant 0 : i32
    %dma_start3A_237 = tpu.memref_slice %arg3[%dma_start3A_236, %multiple_of3A_232] : memref<32x1000000xf32, #tpu.memory_space<hbm>> -> memref<32x1920xf32, #tpu.memory_space<hbm>>
    %dma_start3A_238 = arith.constant 0 : i32
    %dma_start3A_239 = arith.constant 0 : i32
    %dma_start3A_240 = tpu.memref_slice %arg4[%arg1, %dma_start3A_238, %dma_start3A_239] : memref<16x32x1920xf32, #tpu.memory_space<vmem_shared>> -> memref<1x32x1920xf32, #tpu.memory_space<vmem_shared>>
    %dma_start3A_241 = tpu.memref_squeeze %dma_start3A_240 : memref<1x32x1920xf32, #tpu.memory_space<vmem_shared>> -> memref<32x1920xf32, #tpu.memory_space<vmem_shared>>
    tpu.enqueue_dma source(%dma_start3A_241 : memref<32x1920xf32, #tpu.memory_space<vmem_shared>>) target(%dma_start3A_237 : memref<32x1920xf32, #tpu.memory_space<hbm>>) target_semaphore(%dma_start3A_235 : memref<!tpu.dma_semaphore, #tpu.memory_space<semaphore_mem>>)
    %add3A_242 = arith.constant 7680 : i32
    %add3A_243 = arith.addi %mul3A_2, %add3A_242 : i32
    %multiple_of3A_244 = tpu.assume_multiple %add3A_243, 128 : i32
    %dma_wait3A_245 = arith.constant 0 : i32
    %dma_wait3A_246 = tpu.memref_slice %arg8[%dma_wait3A_245] : memref<2x!tpu.dma_semaphore, #tpu.memory_space<semaphore_mem>> -> memref<1x!tpu.dma_semaphore, #tpu.memory_space<semaphore_mem>>
    %dma_wait3A_247 = tpu.memref_squeeze %dma_wait3A_246 : memref<1x!tpu.dma_semaphore, #tpu.memory_space<semaphore_mem>> -> memref<!tpu.dma_semaphore, #tpu.memory_space<semaphore_mem>>
    %dma_wait3A_248 = arith.constant 0 : i32
    %dma_wait3A_249 = tpu.memref_slice %arg3[%dma_wait3A_248, %multiple_of3A_244] : memref<32x1000000xf32, #tpu.memory_space<hbm>> -> memref<32x1920xf32, #tpu.memory_space<hbm>>
    %dma_wait3A_250 = arith.constant 0 : i32
    %dma_wait3A_251 = arith.constant 0 : i32
    %dma_wait3A_252 = tpu.memref_slice %arg4[%arg1, %dma_wait3A_250, %dma_wait3A_251] : memref<16x32x1920xf32, #tpu.memory_space<vmem_shared>> -> memref<1x32x1920xf32, #tpu.memory_space<vmem_shared>>
    %dma_wait3A_253 = tpu.memref_squeeze %dma_wait3A_252 : memref<1x32x1920xf32, #tpu.memory_space<vmem_shared>> -> memref<32x1920xf32, #tpu.memory_space<vmem_shared>>
    tpu.wait_dma2 semaphore(%dma_wait3A_247 : memref<!tpu.dma_semaphore, #tpu.memory_space<semaphore_mem>>) src(%dma_wait3A_253 : memref<32x1920xf32, #tpu.memory_space<vmem_shared>>) dst(%dma_wait3A_249 : memref<32x1920xf32, #tpu.memory_space<hbm>>)
    %add3A_254 = arith.constant 11520 : i32
    %add3A_255 = arith.addi %mul3A_2, %add3A_254 : i32
    %multiple_of3A_256 = tpu.assume_multiple %add3A_255, 128 : i32
    %dma_start3A_257 = arith.constant 0 : i32
    %dma_start3A_258 = tpu.memref_slice %arg7[%dma_start3A_257] : memref<2x!tpu.dma_semaphore, #tpu.memory_space<semaphore_mem>> -> memref<1x!tpu.dma_semaphore, #tpu.memory_space<semaphore_mem>>
    %dma_start3A_259 = tpu.memref_squeeze %dma_start3A_258 : memref<1x!tpu.dma_semaphore, #tpu.memory_space<semaphore_mem>> -> memref<!tpu.dma_semaphore, #tpu.memory_space<semaphore_mem>>
    %dma_start3A_260 = arith.constant 0 : i32
    %dma_start3A_261 = arith.constant 0 : i32
    %dma_start3A_262 = tpu.memref_slice %arg4[%arg1, %dma_start3A_260, %dma_start3A_261] : memref<16x32x1920xf32, #tpu.memory_space<vmem_shared>> -> memref<1x32x1920xf32, #tpu.memory_space<vmem_shared>>
    %dma_start3A_263 = tpu.memref_squeeze %dma_start3A_262 : memref<1x32x1920xf32, #tpu.memory_space<vmem_shared>> -> memref<32x1920xf32, #tpu.memory_space<vmem_shared>>
    %dma_start3A_264 = arith.constant 0 : i32
    %dma_start3A_265 = tpu.memref_slice %arg2[%dma_start3A_264, %multiple_of3A_256] : memref<32x1000000xf32, #tpu.memory_space<hbm>> -> memref<32x1920xf32, #tpu.memory_space<hbm>>
    tpu.enqueue_dma source(%dma_start3A_265 : memref<32x1920xf32, #tpu.memory_space<hbm>>) target(%dma_start3A_263 : memref<32x1920xf32, #tpu.memory_space<vmem_shared>>) target_semaphore(%dma_start3A_259 : memref<!tpu.dma_semaphore, #tpu.memory_space<semaphore_mem>>)
    %add3A_266 = arith.constant 9600 : i32
    %add3A_267 = arith.addi %mul3A_2, %add3A_266 : i32
    %multiple_of3A_268 = tpu.assume_multiple %add3A_267, 128 : i32
    %dma_wait3A_269 = arith.constant 1 : i32
    %dma_wait3A_270 = tpu.memref_slice %arg7[%dma_wait3A_269] : memref<2x!tpu.dma_semaphore, #tpu.memory_space<semaphore_mem>> -> memref<1x!tpu.dma_semaphore, #tpu.memory_space<semaphore_mem>>
    %dma_wait3A_271 = tpu.memref_squeeze %dma_wait3A_270 : memref<1x!tpu.dma_semaphore, #tpu.memory_space<semaphore_mem>> -> memref<!tpu.dma_semaphore, #tpu.memory_space<semaphore_mem>>
    %dma_wait3A_272 = arith.constant 0 : i32
    %dma_wait3A_273 = arith.constant 0 : i32
    %dma_wait3A_274 = tpu.memref_slice %arg5[%arg1, %dma_wait3A_272, %dma_wait3A_273] : memref<16x32x1920xf32, #tpu.memory_space<vmem_shared>> -> memref<1x32x1920xf32, #tpu.memory_space<vmem_shared>>
    %dma_wait3A_275 = tpu.memref_squeeze %dma_wait3A_274 : memref<1x32x1920xf32, #tpu.memory_space<vmem_shared>> -> memref<32x1920xf32, #tpu.memory_space<vmem_shared>>
    %dma_wait3A_276 = arith.constant 0 : i32
    %dma_wait3A_277 = tpu.memref_slice %arg2[%dma_wait3A_276, %multiple_of3A_268] : memref<32x1000000xf32, #tpu.memory_space<hbm>> -> memref<32x1920xf32, #tpu.memory_space<hbm>>
    tpu.wait_dma2 semaphore(%dma_wait3A_271 : memref<!tpu.dma_semaphore, #tpu.memory_space<semaphore_mem>>) src(%dma_wait3A_277 : memref<32x1920xf32, #tpu.memory_space<hbm>>) dst(%dma_wait3A_275 : memref<32x1920xf32, #tpu.memory_space<vmem_shared>>)
    %add3A_278 = arith.constant 9600 : i32
    %add3A_279 = arith.addi %mul3A_2, %add3A_278 : i32
    %multiple_of3A_280 = tpu.assume_multiple %add3A_279, 128 : i32
    %dma_start3A_281 = arith.constant 1 : i32
    %dma_start3A_282 = tpu.memref_slice %arg8[%dma_start3A_281] : memref<2x!tpu.dma_semaphore, #tpu.memory_space<semaphore_mem>> -> memref<1x!tpu.dma_semaphore, #tpu.memory_space<semaphore_mem>>
    %dma_start3A_283 = tpu.memref_squeeze %dma_start3A_282 : memref<1x!tpu.dma_semaphore, #tpu.memory_space<semaphore_mem>> -> memref<!tpu.dma_semaphore, #tpu.memory_space<semaphore_mem>>
    %dma_start3A_284 = arith.constant 0 : i32
    %dma_start3A_285 = tpu.memref_slice %arg3[%dma_start3A_284, %multiple_of3A_280] : memref<32x1000000xf32, #tpu.memory_space<hbm>> -> memref<32x1920xf32, #tpu.memory_space<hbm>>
    %dma_start3A_286 = arith.constant 0 : i32
    %dma_start3A_287 = arith.constant 0 : i32
    %dma_start3A_288 = tpu.memref_slice %arg5[%arg1, %dma_start3A_286, %dma_start3A_287] : memref<16x32x1920xf32, #tpu.memory_space<vmem_shared>> -> memref<1x32x1920xf32, #tpu.memory_space<vmem_shared>>
    %dma_start3A_289 = tpu.memref_squeeze %dma_start3A_288 : memref<1x32x1920xf32, #tpu.memory_space<vmem_shared>> -> memref<32x1920xf32, #tpu.memory_space<vmem_shared>>
    tpu.enqueue_dma source(%dma_start3A_289 : memref<32x1920xf32, #tpu.memory_space<vmem_shared>>) target(%dma_start3A_285 : memref<32x1920xf32, #tpu.memory_space<hbm>>) target_semaphore(%dma_start3A_283 : memref<!tpu.dma_semaphore, #tpu.memory_space<semaphore_mem>>)
    %add3A_290 = arith.constant 9600 : i32
    %add3A_291 = arith.addi %mul3A_2, %add3A_290 : i32
    %multiple_of3A_292 = tpu.assume_multiple %add3A_291, 128 : i32
    %dma_wait3A_293 = arith.constant 1 : i32
    %dma_wait3A_294 = tpu.memref_slice %arg8[%dma_wait3A_293] : memref<2x!tpu.dma_semaphore, #tpu.memory_space<semaphore_mem>> -> memref<1x!tpu.dma_semaphore, #tpu.memory_space<semaphore_mem>>
    %dma_wait3A_295 = tpu.memref_squeeze %dma_wait3A_294 : memref<1x!tpu.dma_semaphore, #tpu.memory_space<semaphore_mem>> -> memref<!tpu.dma_semaphore, #tpu.memory_space<semaphore_mem>>
    %dma_wait3A_296 = arith.constant 0 : i32
    %dma_wait3A_297 = tpu.memref_slice %arg3[%dma_wait3A_296, %multiple_of3A_292] : memref<32x1000000xf32, #tpu.memory_space<hbm>> -> memref<32x1920xf32, #tpu.memory_space<hbm>>
    %dma_wait3A_298 = arith.constant 0 : i32
    %dma_wait3A_299 = arith.constant 0 : i32
    %dma_wait3A_300 = tpu.memref_slice %arg5[%arg1, %dma_wait3A_298, %dma_wait3A_299] : memref<16x32x1920xf32, #tpu.memory_space<vmem_shared>> -> memref<1x32x1920xf32, #tpu.memory_space<vmem_shared>>
    %dma_wait3A_301 = tpu.memref_squeeze %dma_wait3A_300 : memref<1x32x1920xf32, #tpu.memory_space<vmem_shared>> -> memref<32x1920xf32, #tpu.memory_space<vmem_shared>>
    tpu.wait_dma2 semaphore(%dma_wait3A_295 : memref<!tpu.dma_semaphore, #tpu.memory_space<semaphore_mem>>) src(%dma_wait3A_301 : memref<32x1920xf32, #tpu.memory_space<vmem_shared>>) dst(%dma_wait3A_297 : memref<32x1920xf32, #tpu.memory_space<hbm>>)
    %add3A_302 = arith.constant 13440 : i32
    %add3A_303 = arith.addi %mul3A_2, %add3A_302 : i32
    %multiple_of3A_304 = tpu.assume_multiple %add3A_303, 128 : i32
    %dma_start3A_305 = arith.constant 1 : i32
    %dma_start3A_306 = tpu.memref_slice %arg7[%dma_start3A_305] : memref<2x!tpu.dma_semaphore, #tpu.memory_space<semaphore_mem>> -> memref<1x!tpu.dma_semaphore, #tpu.memory_space<semaphore_mem>>
    %dma_start3A_307 = tpu.memref_squeeze %dma_start3A_306 : memref<1x!tpu.dma_semaphore, #tpu.memory_space<semaphore_mem>> -> memref<!tpu.dma_semaphore, #tpu.memory_space<semaphore_mem>>
    %dma_start3A_308 = arith.constant 0 : i32
    %dma_start3A_309 = arith.constant 0 : i32
    %dma_start3A_310 = tpu.memref_slice %arg5[%arg1, %dma_start3A_308, %dma_start3A_309] : memref<16x32x1920xf32, #tpu.memory_space<vmem_shared>> -> memref<1x32x1920xf32, #tpu.memory_space<vmem_shared>>
    %dma_start3A_311 = tpu.memref_squeeze %dma_start3A_310 : memref<1x32x1920xf32, #tpu.memory_space<vmem_shared>> -> memref<32x1920xf32, #tpu.memory_space<vmem_shared>>
    %dma_start3A_312 = arith.constant 0 : i32
    %dma_start3A_313 = tpu.memref_slice %arg2[%dma_start3A_312, %multiple_of3A_304] : memref<32x1000000xf32, #tpu.memory_space<hbm>> -> memref<32x1920xf32, #tpu.memory_space<hbm>>
    tpu.enqueue_dma source(%dma_start3A_313 : memref<32x1920xf32, #tpu.memory_space<hbm>>) target(%dma_start3A_311 : memref<32x1920xf32, #tpu.memory_space<vmem_shared>>) target_semaphore(%dma_start3A_307 : memref<!tpu.dma_semaphore, #tpu.memory_space<semaphore_mem>>)
    %add3A_314 = arith.constant 11520 : i32
    %add3A_315 = arith.addi %mul3A_2, %add3A_314 : i32
    %multiple_of3A_316 = tpu.assume_multiple %add3A_315, 128 : i32
    %dma_wait3A_317 = arith.constant 0 : i32
    %dma_wait3A_318 = tpu.memref_slice %arg7[%dma_wait3A_317] : memref<2x!tpu.dma_semaphore, #tpu.memory_space<semaphore_mem>> -> memref<1x!tpu.dma_semaphore, #tpu.memory_space<semaphore_mem>>
    %dma_wait3A_319 = tpu.memref_squeeze %dma_wait3A_318 : memref<1x!tpu.dma_semaphore, #tpu.memory_space<semaphore_mem>> -> memref<!tpu.dma_semaphore, #tpu.memory_space<semaphore_mem>>
    %dma_wait3A_320 = arith.constant 0 : i32
    %dma_wait3A_321 = arith.constant 0 : i32
    %dma_wait3A_322 = tpu.memref_slice %arg4[%arg1, %dma_wait3A_320, %dma_wait3A_321] : memref<16x32x1920xf32, #tpu.memory_space<vmem_shared>> -> memref<1x32x1920xf32, #tpu.memory_space<vmem_shared>>
    %dma_wait3A_323 = tpu.memref_squeeze %dma_wait3A_322 : memref<1x32x1920xf32, #tpu.memory_space<vmem_shared>> -> memref<32x1920xf32, #tpu.memory_space<vmem_shared>>
    %dma_wait3A_324 = arith.constant 0 : i32
    %dma_wait3A_325 = tpu.memref_slice %arg2[%dma_wait3A_324, %multiple_of3A_316] : memref<32x1000000xf32, #tpu.memory_space<hbm>> -> memref<32x1920xf32, #tpu.memory_space<hbm>>
    tpu.wait_dma2 semaphore(%dma_wait3A_319 : memref<!tpu.dma_semaphore, #tpu.memory_space<semaphore_mem>>) src(%dma_wait3A_325 : memref<32x1920xf32, #tpu.memory_space<hbm>>) dst(%dma_wait3A_323 : memref<32x1920xf32, #tpu.memory_space<vmem_shared>>)
    %add3A_326 = arith.constant 11520 : i32
    %add3A_327 = arith.addi %mul3A_2, %add3A_326 : i32
    %multiple_of3A_328 = tpu.assume_multiple %add3A_327, 128 : i32
    %dma_start3A_329 = arith.constant 0 : i32
    %dma_start3A_330 = tpu.memref_slice %arg8[%dma_start3A_329] : memref<2x!tpu.dma_semaphore, #tpu.memory_space<semaphore_mem>> -> memref<1x!tpu.dma_semaphore, #tpu.memory_space<semaphore_mem>>
    %dma_start3A_331 = tpu.memref_squeeze %dma_start3A_330 : memref<1x!tpu.dma_semaphore, #tpu.memory_space<semaphore_mem>> -> memref<!tpu.dma_semaphore, #tpu.memory_space<semaphore_mem>>
    %dma_start3A_332 = arith.constant 0 : i32
    %dma_start3A_333 = tpu.memref_slice %arg3[%dma_start3A_332, %multiple_of3A_328] : memref<32x1000000xf32, #tpu.memory_space<hbm>> -> memref<32x1920xf32, #tpu.memory_space<hbm>>
    %dma_start3A_334 = arith.constant 0 : i32
    %dma_start3A_335 = arith.constant 0 : i32
    %dma_start3A_336 = tpu.memref_slice %arg4[%arg1, %dma_start3A_334, %dma_start3A_335] : memref<16x32x1920xf32, #tpu.memory_space<vmem_shared>> -> memref<1x32x1920xf32, #tpu.memory_space<vmem_shared>>
    %dma_start3A_337 = tpu.memref_squeeze %dma_start3A_336 : memref<1x32x1920xf32, #tpu.memory_space<vmem_shared>> -> memref<32x1920xf32, #tpu.memory_space<vmem_shared>>
    tpu.enqueue_dma source(%dma_start3A_337 : memref<32x1920xf32, #tpu.memory_space<vmem_shared>>) target(%dma_start3A_333 : memref<32x1920xf32, #tpu.memory_space<hbm>>) target_semaphore(%dma_start3A_331 : memref<!tpu.dma_semaphore, #tpu.memory_space<semaphore_mem>>)
    %add3A_338 = arith.constant 11520 : i32
    %add3A_339 = arith.addi %mul3A_2, %add3A_338 : i32
    %multiple_of3A_340 = tpu.assume_multiple %add3A_339, 128 : i32
    %dma_wait3A_341 = arith.constant 0 : i32
    %dma_wait3A_342 = tpu.memref_slice %arg8[%dma_wait3A_341] : memref<2x!tpu.dma_semaphore, #tpu.memory_space<semaphore_mem>> -> memref<1x!tpu.dma_semaphore, #tpu.memory_space<semaphore_mem>>
    %dma_wait3A_343 = tpu.memref_squeeze %dma_wait3A_342 : memref<1x!tpu.dma_semaphore, #tpu.memory_space<semaphore_mem>> -> memref<!tpu.dma_semaphore, #tpu.memory_space<semaphore_mem>>
    %dma_wait3A_344 = arith.constant 0 : i32
    %dma_wait3A_345 = tpu.memref_slice %arg3[%dma_wait3A_344, %multiple_of3A_340] : memref<32x1000000xf32, #tpu.memory_space<hbm>> -> memref<32x1920xf32, #tpu.memory_space<hbm>>
    %dma_wait3A_346 = arith.constant 0 : i32
    %dma_wait3A_347 = arith.constant 0 : i32
    %dma_wait3A_348 = tpu.memref_slice %arg4[%arg1, %dma_wait3A_346, %dma_wait3A_347] : memref<16x32x1920xf32, #tpu.memory_space<vmem_shared>> -> memref<1x32x1920xf32, #tpu.memory_space<vmem_shared>>
    %dma_wait3A_349 = tpu.memref_squeeze %dma_wait3A_348 : memref<1x32x1920xf32, #tpu.memory_space<vmem_shared>> -> memref<32x1920xf32, #tpu.memory_space<vmem_shared>>
    tpu.wait_dma2 semaphore(%dma_wait3A_343 : memref<!tpu.dma_semaphore, #tpu.memory_space<semaphore_mem>>) src(%dma_wait3A_349 : memref<32x1920xf32, #tpu.memory_space<vmem_shared>>) dst(%dma_wait3A_345 : memref<32x1920xf32, #tpu.memory_space<hbm>>)
    %add3A_350 = arith.constant 15360 : i32
    %add3A_351 = arith.addi %mul3A_2, %add3A_350 : i32
    %multiple_of3A_352 = tpu.assume_multiple %add3A_351, 128 : i32
    %dma_start3A_353 = arith.constant 0 : i32
    %dma_start3A_354 = tpu.memref_slice %arg7[%dma_start3A_353] : memref<2x!tpu.dma_semaphore, #tpu.memory_space<semaphore_mem>> -> memref<1x!tpu.dma_semaphore, #tpu.memory_space<semaphore_mem>>
    %dma_start3A_355 = tpu.memref_squeeze %dma_start3A_354 : memref<1x!tpu.dma_semaphore, #tpu.memory_space<semaphore_mem>> -> memref<!tpu.dma_semaphore, #tpu.memory_space<semaphore_mem>>
    %dma_start3A_356 = arith.constant 0 : i32
    %dma_start3A_357 = arith.constant 0 : i32
    %dma_start3A_358 = tpu.memref_slice %arg4[%arg1, %dma_start3A_356, %dma_start3A_357] : memref<16x32x1920xf32, #tpu.memory_space<vmem_shared>> -> memref<1x32x1920xf32, #tpu.memory_space<vmem_shared>>
    %dma_start3A_359 = tpu.memref_squeeze %dma_start3A_358 : memref<1x32x1920xf32, #tpu.memory_space<vmem_shared>> -> memref<32x1920xf32, #tpu.memory_space<vmem_shared>>
    %dma_start3A_360 = arith.constant 0 : i32
    %dma_start3A_361 = tpu.memref_slice %arg2[%dma_start3A_360, %multiple_of3A_352] : memref<32x1000000xf32, #tpu.memory_space<hbm>> -> memref<32x1920xf32, #tpu.memory_space<hbm>>
    tpu.enqueue_dma source(%dma_start3A_361 : memref<32x1920xf32, #tpu.memory_space<hbm>>) target(%dma_start3A_359 : memref<32x1920xf32, #tpu.memory_space<vmem_shared>>) target_semaphore(%dma_start3A_355 : memref<!tpu.dma_semaphore, #tpu.memory_space<semaphore_mem>>)
    %add3A_362 = arith.constant 13440 : i32
    %add3A_363 = arith.addi %mul3A_2, %add3A_362 : i32
    %multiple_of3A_364 = tpu.assume_multiple %add3A_363, 128 : i32
    %dma_wait3A_365 = arith.constant 1 : i32
    %dma_wait3A_366 = tpu.memref_slice %arg7[%dma_wait3A_365] : memref<2x!tpu.dma_semaphore, #tpu.memory_space<semaphore_mem>> -> memref<1x!tpu.dma_semaphore, #tpu.memory_space<semaphore_mem>>
    %dma_wait3A_367 = tpu.memref_squeeze %dma_wait3A_366 : memref<1x!tpu.dma_semaphore, #tpu.memory_space<semaphore_mem>> -> memref<!tpu.dma_semaphore, #tpu.memory_space<semaphore_mem>>
    %dma_wait3A_368 = arith.constant 0 : i32
    %dma_wait3A_369 = arith.constant 0 : i32
    %dma_wait3A_370 = tpu.memref_slice %arg5[%arg1, %dma_wait3A_368, %dma_wait3A_369] : memref<16x32x1920xf32, #tpu.memory_space<vmem_shared>> -> memref<1x32x1920xf32, #tpu.memory_space<vmem_shared>>
    %dma_wait3A_371 = tpu.memref_squeeze %dma_wait3A_370 : memref<1x32x1920xf32, #tpu.memory_space<vmem_shared>> -> memref<32x1920xf32, #tpu.memory_space<vmem_shared>>
    %dma_wait3A_372 = arith.constant 0 : i32
    %dma_wait3A_373 = tpu.memref_slice %arg2[%dma_wait3A_372, %multiple_of3A_364] : memref<32x1000000xf32, #tpu.memory_space<hbm>> -> memref<32x1920xf32, #tpu.memory_space<hbm>>
    tpu.wait_dma2 semaphore(%dma_wait3A_367 : memref<!tpu.dma_semaphore, #tpu.memory_space<semaphore_mem>>) src(%dma_wait3A_373 : memref<32x1920xf32, #tpu.memory_space<hbm>>) dst(%dma_wait3A_371 : memref<32x1920xf32, #tpu.memory_space<vmem_shared>>)
    %add3A_374 = arith.constant 13440 : i32
    %add3A_375 = arith.addi %mul3A_2, %add3A_374 : i32
    %multiple_of3A_376 = tpu.assume_multiple %add3A_375, 128 : i32
    %dma_start3A_377 = arith.constant 1 : i32
    %dma_start3A_378 = tpu.memref_slice %arg8[%dma_start3A_377] : memref<2x!tpu.dma_semaphore, #tpu.memory_space<semaphore_mem>> -> memref<1x!tpu.dma_semaphore, #tpu.memory_space<semaphore_mem>>
    %dma_start3A_379 = tpu.memref_squeeze %dma_start3A_378 : memref<1x!tpu.dma_semaphore, #tpu.memory_space<semaphore_mem>> -> memref<!tpu.dma_semaphore, #tpu.memory_space<semaphore_mem>>
    %dma_start3A_380 = arith.constant 0 : i32
    %dma_start3A_381 = tpu.memref_slice %arg3[%dma_start3A_380, %multiple_of3A_376] : memref<32x1000000xf32, #tpu.memory_space<hbm>> -> memref<32x1920xf32, #tpu.memory_space<hbm>>
    %dma_start3A_382 = arith.constant 0 : i32
    %dma_start3A_383 = arith.constant 0 : i32
    %dma_start3A_384 = tpu.memref_slice %arg5[%arg1, %dma_start3A_382, %dma_start3A_383] : memref<16x32x1920xf32, #tpu.memory_space<vmem_shared>> -> memref<1x32x1920xf32, #tpu.memory_space<vmem_shared>>
    %dma_start3A_385 = tpu.memref_squeeze %dma_start3A_384 : memref<1x32x1920xf32, #tpu.memory_space<vmem_shared>> -> memref<32x1920xf32, #tpu.memory_space<vmem_shared>>
    tpu.enqueue_dma source(%dma_start3A_385 : memref<32x1920xf32, #tpu.memory_space<vmem_shared>>) target(%dma_start3A_381 : memref<32x1920xf32, #tpu.memory_space<hbm>>) target_semaphore(%dma_start3A_379 : memref<!tpu.dma_semaphore, #tpu.memory_space<semaphore_mem>>)
    %add3A_386 = arith.constant 13440 : i32
    %add3A_387 = arith.addi %mul3A_2, %add3A_386 : i32
    %multiple_of3A_388 = tpu.assume_multiple %add3A_387, 128 : i32
    %dma_wait3A_389 = arith.constant 1 : i32
    %dma_wait3A_390 = tpu.memref_slice %arg8[%dma_wait3A_389] : memref<2x!tpu.dma_semaphore, #tpu.memory_space<semaphore_mem>> -> memref<1x!tpu.dma_semaphore, #tpu.memory_space<semaphore_mem>>
    %dma_wait3A_391 = tpu.memref_squeeze %dma_wait3A_390 : memref<1x!tpu.dma_semaphore, #tpu.memory_space<semaphore_mem>> -> memref<!tpu.dma_semaphore, #tpu.memory_space<semaphore_mem>>
    %dma_wait3A_392 = arith.constant 0 : i32
    %dma_wait3A_393 = tpu.memref_slice %arg3[%dma_wait3A_392, %multiple_of3A_388] : memref<32x1000000xf32, #tpu.memory_space<hbm>> -> memref<32x1920xf32, #tpu.memory_space<hbm>>
    %dma_wait3A_394 = arith.constant 0 : i32
    %dma_wait3A_395 = arith.constant 0 : i32
    %dma_wait3A_396 = tpu.memref_slice %arg5[%arg1, %dma_wait3A_394, %dma_wait3A_395] : memref<16x32x1920xf32, #tpu.memory_space<vmem_shared>> -> memref<1x32x1920xf32, #tpu.memory_space<vmem_shared>>
    %dma_wait3A_397 = tpu.memref_squeeze %dma_wait3A_396 : memref<1x32x1920xf32, #tpu.memory_space<vmem_shared>> -> memref<32x1920xf32, #tpu.memory_space<vmem_shared>>
    tpu.wait_dma2 semaphore(%dma_wait3A_391 : memref<!tpu.dma_semaphore, #tpu.memory_space<semaphore_mem>>) src(%dma_wait3A_397 : memref<32x1920xf32, #tpu.memory_space<vmem_shared>>) dst(%dma_wait3A_393 : memref<32x1920xf32, #tpu.memory_space<hbm>>)
    %add3A_398 = arith.constant 17280 : i32
    %add3A_399 = arith.addi %mul3A_2, %add3A_398 : i32
    %multiple_of3A_400 = tpu.assume_multiple %add3A_399, 128 : i32
    %dma_start3A_401 = arith.constant 1 : i32
    %dma_start3A_402 = tpu.memref_slice %arg7[%dma_start3A_401] : memref<2x!tpu.dma_semaphore, #tpu.memory_space<semaphore_mem>> -> memref<1x!tpu.dma_semaphore, #tpu.memory_space<semaphore_mem>>
    %dma_start3A_403 = tpu.memref_squeeze %dma_start3A_402 : memref<1x!tpu.dma_semaphore, #tpu.memory_space<semaphore_mem>> -> memref<!tpu.dma_semaphore, #tpu.memory_space<semaphore_mem>>
    %dma_start3A_404 = arith.constant 0 : i32
    %dma_start3A_405 = arith.constant 0 : i32
    %dma_start3A_406 = tpu.memref_slice %arg5[%arg1, %dma_start3A_404, %dma_start3A_405] : memref<16x32x1920xf32, #tpu.memory_space<vmem_shared>> -> memref<1x32x1920xf32, #tpu.memory_space<vmem_shared>>
    %dma_start3A_407 = tpu.memref_squeeze %dma_start3A_406 : memref<1x32x1920xf32, #tpu.memory_space<vmem_shared>> -> memref<32x1920xf32, #tpu.memory_space<vmem_shared>>
    %dma_start3A_408 = arith.constant 0 : i32
    %dma_start3A_409 = tpu.memref_slice %arg2[%dma_start3A_408, %multiple_of3A_400] : memref<32x1000000xf32, #tpu.memory_space<hbm>> -> memref<32x1920xf32, #tpu.memory_space<hbm>>
    tpu.enqueue_dma source(%dma_start3A_409 : memref<32x1920xf32, #tpu.memory_space<hbm>>) target(%dma_start3A_407 : memref<32x1920xf32, #tpu.memory_space<vmem_shared>>) target_semaphore(%dma_start3A_403 : memref<!tpu.dma_semaphore, #tpu.memory_space<semaphore_mem>>)
    %add3A_410 = arith.constant 15360 : i32
    %add3A_411 = arith.addi %mul3A_2, %add3A_410 : i32
    %multiple_of3A_412 = tpu.assume_multiple %add3A_411, 128 : i32
    %dma_wait3A_413 = arith.constant 0 : i32
    %dma_wait3A_414 = tpu.memref_slice %arg7[%dma_wait3A_413] : memref<2x!tpu.dma_semaphore, #tpu.memory_space<semaphore_mem>> -> memref<1x!tpu.dma_semaphore, #tpu.memory_space<semaphore_mem>>
    %dma_wait3A_415 = tpu.memref_squeeze %dma_wait3A_414 : memref<1x!tpu.dma_semaphore, #tpu.memory_space<semaphore_mem>> -> memref<!tpu.dma_semaphore, #tpu.memory_space<semaphore_mem>>
    %dma_wait3A_416 = arith.constant 0 : i32
    %dma_wait3A_417 = arith.constant 0 : i32
    %dma_wait3A_418 = tpu.memref_slice %arg4[%arg1, %dma_wait3A_416, %dma_wait3A_417] : memref<16x32x1920xf32, #tpu.memory_space<vmem_shared>> -> memref<1x32x1920xf32, #tpu.memory_space<vmem_shared>>
    %dma_wait3A_419 = tpu.memref_squeeze %dma_wait3A_418 : memref<1x32x1920xf32, #tpu.memory_space<vmem_shared>> -> memref<32x1920xf32, #tpu.memory_space<vmem_shared>>
    %dma_wait3A_420 = arith.constant 0 : i32
    %dma_wait3A_421 = tpu.memref_slice %arg2[%dma_wait3A_420, %multiple_of3A_412] : memref<32x1000000xf32, #tpu.memory_space<hbm>> -> memref<32x1920xf32, #tpu.memory_space<hbm>>
    tpu.wait_dma2 semaphore(%dma_wait3A_415 : memref<!tpu.dma_semaphore, #tpu.memory_space<semaphore_mem>>) src(%dma_wait3A_421 : memref<32x1920xf32, #tpu.memory_space<hbm>>) dst(%dma_wait3A_419 : memref<32x1920xf32, #tpu.memory_space<vmem_shared>>)
    %add3A_422 = arith.constant 15360 : i32
    %add3A_423 = arith.addi %mul3A_2, %add3A_422 : i32
    %multiple_of3A_424 = tpu.assume_multiple %add3A_423, 128 : i32
    %dma_start3A_425 = arith.constant 0 : i32
    %dma_start3A_426 = tpu.memref_slice %arg8[%dma_start3A_425] : memref<2x!tpu.dma_semaphore, #tpu.memory_space<semaphore_mem>> -> memref<1x!tpu.dma_semaphore, #tpu.memory_space<semaphore_mem>>
    %dma_start3A_427 = tpu.memref_squeeze %dma_start3A_426 : memref<1x!tpu.dma_semaphore, #tpu.memory_space<semaphore_mem>> -> memref<!tpu.dma_semaphore, #tpu.memory_space<semaphore_mem>>
    %dma_start3A_428 = arith.constant 0 : i32
    %dma_start3A_429 = tpu.memref_slice %arg3[%dma_start3A_428, %multiple_of3A_424] : memref<32x1000000xf32, #tpu.memory_space<hbm>> -> memref<32x1920xf32, #tpu.memory_space<hbm>>
    %dma_start3A_430 = arith.constant 0 : i32
    %dma_start3A_431 = arith.constant 0 : i32
    %dma_start3A_432 = tpu.memref_slice %arg4[%arg1, %dma_start3A_430, %dma_start3A_431] : memref<16x32x1920xf32, #tpu.memory_space<vmem_shared>> -> memref<1x32x1920xf32, #tpu.memory_space<vmem_shared>>
    %dma_start3A_433 = tpu.memref_squeeze %dma_start3A_432 : memref<1x32x1920xf32, #tpu.memory_space<vmem_shared>> -> memref<32x1920xf32, #tpu.memory_space<vmem_shared>>
    tpu.enqueue_dma source(%dma_start3A_433 : memref<32x1920xf32, #tpu.memory_space<vmem_shared>>) target(%dma_start3A_429 : memref<32x1920xf32, #tpu.memory_space<hbm>>) target_semaphore(%dma_start3A_427 : memref<!tpu.dma_semaphore, #tpu.memory_space<semaphore_mem>>)
    %add3A_434 = arith.constant 15360 : i32
    %add3A_435 = arith.addi %mul3A_2, %add3A_434 : i32
    %multiple_of3A_436 = tpu.assume_multiple %add3A_435, 128 : i32
    %dma_wait3A_437 = arith.constant 0 : i32
    %dma_wait3A_438 = tpu.memref_slice %arg8[%dma_wait3A_437] : memref<2x!tpu.dma_semaphore, #tpu.memory_space<semaphore_mem>> -> memref<1x!tpu.dma_semaphore, #tpu.memory_space<semaphore_mem>>
    %dma_wait3A_439 = tpu.memref_squeeze %dma_wait3A_438 : memref<1x!tpu.dma_semaphore, #tpu.memory_space<semaphore_mem>> -> memref<!tpu.dma_semaphore, #tpu.memory_space<semaphore_mem>>
    %dma_wait3A_440 = arith.constant 0 : i32
    %dma_wait3A_441 = tpu.memref_slice %arg3[%dma_wait3A_440, %multiple_of3A_436] : memref<32x1000000xf32, #tpu.memory_space<hbm>> -> memref<32x1920xf32, #tpu.memory_space<hbm>>
    %dma_wait3A_442 = arith.constant 0 : i32
    %dma_wait3A_443 = arith.constant 0 : i32
    %dma_wait3A_444 = tpu.memref_slice %arg4[%arg1, %dma_wait3A_442, %dma_wait3A_443] : memref<16x32x1920xf32, #tpu.memory_space<vmem_shared>> -> memref<1x32x1920xf32, #tpu.memory_space<vmem_shared>>
    %dma_wait3A_445 = tpu.memref_squeeze %dma_wait3A_444 : memref<1x32x1920xf32, #tpu.memory_space<vmem_shared>> -> memref<32x1920xf32, #tpu.memory_space<vmem_shared>>
    tpu.wait_dma2 semaphore(%dma_wait3A_439 : memref<!tpu.dma_semaphore, #tpu.memory_space<semaphore_mem>>) src(%dma_wait3A_445 : memref<32x1920xf32, #tpu.memory_space<vmem_shared>>) dst(%dma_wait3A_441 : memref<32x1920xf32, #tpu.memory_space<hbm>>)
    %add3A_446 = arith.constant 19200 : i32
    %add3A_447 = arith.addi %mul3A_2, %add3A_446 : i32
    %multiple_of3A_448 = tpu.assume_multiple %add3A_447, 128 : i32
    %dma_start3A_449 = arith.constant 0 : i32
    %dma_start3A_450 = tpu.memref_slice %arg7[%dma_start3A_449] : memref<2x!tpu.dma_semaphore, #tpu.memory_space<semaphore_mem>> -> memref<1x!tpu.dma_semaphore, #tpu.memory_space<semaphore_mem>>
    %dma_start3A_451 = tpu.memref_squeeze %dma_start3A_450 : memref<1x!tpu.dma_semaphore, #tpu.memory_space<semaphore_mem>> -> memref<!tpu.dma_semaphore, #tpu.memory_space<semaphore_mem>>
    %dma_start3A_452 = arith.constant 0 : i32
    %dma_start3A_453 = arith.constant 0 : i32
    %dma_start3A_454 = tpu.memref_slice %arg4[%arg1, %dma_start3A_452, %dma_start3A_453] : memref<16x32x1920xf32, #tpu.memory_space<vmem_shared>> -> memref<1x32x1920xf32, #tpu.memory_space<vmem_shared>>
    %dma_start3A_455 = tpu.memref_squeeze %dma_start3A_454 : memref<1x32x1920xf32, #tpu.memory_space<vmem_shared>> -> memref<32x1920xf32, #tpu.memory_space<vmem_shared>>
    %dma_start3A_456 = arith.constant 0 : i32
    %dma_start3A_457 = tpu.memref_slice %arg2[%dma_start3A_456, %multiple_of3A_448] : memref<32x1000000xf32, #tpu.memory_space<hbm>> -> memref<32x1920xf32, #tpu.memory_space<hbm>>
    tpu.enqueue_dma source(%dma_start3A_457 : memref<32x1920xf32, #tpu.memory_space<hbm>>) target(%dma_start3A_455 : memref<32x1920xf32, #tpu.memory_space<vmem_shared>>) target_semaphore(%dma_start3A_451 : memref<!tpu.dma_semaphore, #tpu.memory_space<semaphore_mem>>)
    %add3A_458 = arith.constant 17280 : i32
    %add3A_459 = arith.addi %mul3A_2, %add3A_458 : i32
    %multiple_of3A_460 = tpu.assume_multiple %add3A_459, 128 : i32
    %dma_wait3A_461 = arith.constant 1 : i32
    %dma_wait3A_462 = tpu.memref_slice %arg7[%dma_wait3A_461] : memref<2x!tpu.dma_semaphore, #tpu.memory_space<semaphore_mem>> -> memref<1x!tpu.dma_semaphore, #tpu.memory_space<semaphore_mem>>
    %dma_wait3A_463 = tpu.memref_squeeze %dma_wait3A_462 : memref<1x!tpu.dma_semaphore, #tpu.memory_space<semaphore_mem>> -> memref<!tpu.dma_semaphore, #tpu.memory_space<semaphore_mem>>
    %dma_wait3A_464 = arith.constant 0 : i32
    %dma_wait3A_465 = arith.constant 0 : i32
    %dma_wait3A_466 = tpu.memref_slice %arg5[%arg1, %dma_wait3A_464, %dma_wait3A_465] : memref<16x32x1920xf32, #tpu.memory_space<vmem_shared>> -> memref<1x32x1920xf32, #tpu.memory_space<vmem_shared>>
    %dma_wait3A_467 = tpu.memref_squeeze %dma_wait3A_466 : memref<1x32x1920xf32, #tpu.memory_space<vmem_shared>> -> memref<32x1920xf32, #tpu.memory_space<vmem_shared>>
    %dma_wait3A_468 = arith.constant 0 : i32
    %dma_wait3A_469 = tpu.memref_slice %arg2[%dma_wait3A_468, %multiple_of3A_460] : memref<32x1000000xf32, #tpu.memory_space<hbm>> -> memref<32x1920xf32, #tpu.memory_space<hbm>>
    tpu.wait_dma2 semaphore(%dma_wait3A_463 : memref<!tpu.dma_semaphore, #tpu.memory_space<semaphore_mem>>) src(%dma_wait3A_469 : memref<32x1920xf32, #tpu.memory_space<hbm>>) dst(%dma_wait3A_467 : memref<32x1920xf32, #tpu.memory_space<vmem_shared>>)
    %add3A_470 = arith.constant 17280 : i32
    %add3A_471 = arith.addi %mul3A_2, %add3A_470 : i32
    %multiple_of3A_472 = tpu.assume_multiple %add3A_471, 128 : i32
    %dma_start3A_473 = arith.constant 1 : i32
    %dma_start3A_474 = tpu.memref_slice %arg8[%dma_start3A_473] : memref<2x!tpu.dma_semaphore, #tpu.memory_space<semaphore_mem>> -> memref<1x!tpu.dma_semaphore, #tpu.memory_space<semaphore_mem>>
    %dma_start3A_475 = tpu.memref_squeeze %dma_start3A_474 : memref<1x!tpu.dma_semaphore, #tpu.memory_space<semaphore_mem>> -> memref<!tpu.dma_semaphore, #tpu.memory_space<semaphore_mem>>
    %dma_start3A_476 = arith.constant 0 : i32
    %dma_start3A_477 = tpu.memref_slice %arg3[%dma_start3A_476, %multiple_of3A_472] : memref<32x1000000xf32, #tpu.memory_space<hbm>> -> memref<32x1920xf32, #tpu.memory_space<hbm>>
    %dma_start3A_478 = arith.constant 0 : i32
    %dma_start3A_479 = arith.constant 0 : i32
    %dma_start3A_480 = tpu.memref_slice %arg5[%arg1, %dma_start3A_478, %dma_start3A_479] : memref<16x32x1920xf32, #tpu.memory_space<vmem_shared>> -> memref<1x32x1920xf32, #tpu.memory_space<vmem_shared>>
    %dma_start3A_481 = tpu.memref_squeeze %dma_start3A_480 : memref<1x32x1920xf32, #tpu.memory_space<vmem_shared>> -> memref<32x1920xf32, #tpu.memory_space<vmem_shared>>
    tpu.enqueue_dma source(%dma_start3A_481 : memref<32x1920xf32, #tpu.memory_space<vmem_shared>>) target(%dma_start3A_477 : memref<32x1920xf32, #tpu.memory_space<hbm>>) target_semaphore(%dma_start3A_475 : memref<!tpu.dma_semaphore, #tpu.memory_space<semaphore_mem>>)
    %add3A_482 = arith.constant 17280 : i32
    %add3A_483 = arith.addi %mul3A_2, %add3A_482 : i32
    %multiple_of3A_484 = tpu.assume_multiple %add3A_483, 128 : i32
    %dma_wait3A_485 = arith.constant 1 : i32
    %dma_wait3A_486 = tpu.memref_slice %arg8[%dma_wait3A_485] : memref<2x!tpu.dma_semaphore, #tpu.memory_space<semaphore_mem>> -> memref<1x!tpu.dma_semaphore, #tpu.memory_space<semaphore_mem>>
    %dma_wait3A_487 = tpu.memref_squeeze %dma_wait3A_486 : memref<1x!tpu.dma_semaphore, #tpu.memory_space<semaphore_mem>> -> memref<!tpu.dma_semaphore, #tpu.memory_space<semaphore_mem>>
    %dma_wait3A_488 = arith.constant 0 : i32
    %dma_wait3A_489 = tpu.memref_slice %arg3[%dma_wait3A_488, %multiple_of3A_484] : memref<32x1000000xf32, #tpu.memory_space<hbm>> -> memref<32x1920xf32, #tpu.memory_space<hbm>>
    %dma_wait3A_490 = arith.constant 0 : i32
    %dma_wait3A_491 = arith.constant 0 : i32
    %dma_wait3A_492 = tpu.memref_slice %arg5[%arg1, %dma_wait3A_490, %dma_wait3A_491] : memref<16x32x1920xf32, #tpu.memory_space<vmem_shared>> -> memref<1x32x1920xf32, #tpu.memory_space<vmem_shared>>
    %dma_wait3A_493 = tpu.memref_squeeze %dma_wait3A_492 : memref<1x32x1920xf32, #tpu.memory_space<vmem_shared>> -> memref<32x1920xf32, #tpu.memory_space<vmem_shared>>
    tpu.wait_dma2 semaphore(%dma_wait3A_487 : memref<!tpu.dma_semaphore, #tpu.memory_space<semaphore_mem>>) src(%dma_wait3A_493 : memref<32x1920xf32, #tpu.memory_space<vmem_shared>>) dst(%dma_wait3A_489 : memref<32x1920xf32, #tpu.memory_space<hbm>>)
    %add3A_494 = arith.constant 21120 : i32
    %add3A_495 = arith.addi %mul3A_2, %add3A_494 : i32
    %multiple_of3A_496 = tpu.assume_multiple %add3A_495, 128 : i32
    %dma_start3A_497 = arith.constant 1 : i32
    %dma_start3A_498 = tpu.memref_slice %arg7[%dma_start3A_497] : memref<2x!tpu.dma_semaphore, #tpu.memory_space<semaphore_mem>> -> memref<1x!tpu.dma_semaphore, #tpu.memory_space<semaphore_mem>>
    %dma_start3A_499 = tpu.memref_squeeze %dma_start3A_498 : memref<1x!tpu.dma_semaphore, #tpu.memory_space<semaphore_mem>> -> memref<!tpu.dma_semaphore, #tpu.memory_space<semaphore_mem>>
    %dma_start3A_500 = arith.constant 0 : i32
    %dma_start3A_501 = arith.constant 0 : i32
    %dma_start3A_502 = tpu.memref_slice %arg5[%arg1, %dma_start3A_500, %dma_start3A_501] : memref<16x32x1920xf32, #tpu.memory_space<vmem_shared>> -> memref<1x32x1920xf32, #tpu.memory_space<vmem_shared>>
    %dma_start3A_503 = tpu.memref_squeeze %dma_start3A_502 : memref<1x32x1920xf32, #tpu.memory_space<vmem_shared>> -> memref<32x1920xf32, #tpu.memory_space<vmem_shared>>
    %dma_start3A_504 = arith.constant 0 : i32
    %dma_start3A_505 = tpu.memref_slice %arg2[%dma_start3A_504, %multiple_of3A_496] : memref<32x1000000xf32, #tpu.memory_space<hbm>> -> memref<32x1920xf32, #tpu.memory_space<hbm>>
    tpu.enqueue_dma source(%dma_start3A_505 : memref<32x1920xf32, #tpu.memory_space<hbm>>) target(%dma_start3A_503 : memref<32x1920xf32, #tpu.memory_space<vmem_shared>>) target_semaphore(%dma_start3A_499 : memref<!tpu.dma_semaphore, #tpu.memory_space<semaphore_mem>>)
    %add3A_506 = arith.constant 19200 : i32
    %add3A_507 = arith.addi %mul3A_2, %add3A_506 : i32
    %multiple_of3A_508 = tpu.assume_multiple %add3A_507, 128 : i32
    %dma_wait3A_509 = arith.constant 0 : i32
    %dma_wait3A_510 = tpu.memref_slice %arg7[%dma_wait3A_509] : memref<2x!tpu.dma_semaphore, #tpu.memory_space<semaphore_mem>> -> memref<1x!tpu.dma_semaphore, #tpu.memory_space<semaphore_mem>>
    %dma_wait3A_511 = tpu.memref_squeeze %dma_wait3A_510 : memref<1x!tpu.dma_semaphore, #tpu.memory_space<semaphore_mem>> -> memref<!tpu.dma_semaphore, #tpu.memory_space<semaphore_mem>>
    %dma_wait3A_512 = arith.constant 0 : i32
    %dma_wait3A_513 = arith.constant 0 : i32
    %dma_wait3A_514 = tpu.memref_slice %arg4[%arg1, %dma_wait3A_512, %dma_wait3A_513] : memref<16x32x1920xf32, #tpu.memory_space<vmem_shared>> -> memref<1x32x1920xf32, #tpu.memory_space<vmem_shared>>
    %dma_wait3A_515 = tpu.memref_squeeze %dma_wait3A_514 : memref<1x32x1920xf32, #tpu.memory_space<vmem_shared>> -> memref<32x1920xf32, #tpu.memory_space<vmem_shared>>
    %dma_wait3A_516 = arith.constant 0 : i32
    %dma_wait3A_517 = tpu.memref_slice %arg2[%dma_wait3A_516, %multiple_of3A_508] : memref<32x1000000xf32, #tpu.memory_space<hbm>> -> memref<32x1920xf32, #tpu.memory_space<hbm>>
    tpu.wait_dma2 semaphore(%dma_wait3A_511 : memref<!tpu.dma_semaphore, #tpu.memory_space<semaphore_mem>>) src(%dma_wait3A_517 : memref<32x1920xf32, #tpu.memory_space<hbm>>) dst(%dma_wait3A_515 : memref<32x1920xf32, #tpu.memory_space<vmem_shared>>)
    %add3A_518 = arith.constant 19200 : i32
    %add3A_519 = arith.addi %mul3A_2, %add3A_518 : i32
    %multiple_of3A_520 = tpu.assume_multiple %add3A_519, 128 : i32
    %dma_start3A_521 = arith.constant 0 : i32
    %dma_start3A_522 = tpu.memref_slice %arg8[%dma_start3A_521] : memref<2x!tpu.dma_semaphore, #tpu.memory_space<semaphore_mem>> -> memref<1x!tpu.dma_semaphore, #tpu.memory_space<semaphore_mem>>
    %dma_start3A_523 = tpu.memref_squeeze %dma_start3A_522 : memref<1x!tpu.dma_semaphore, #tpu.memory_space<semaphore_mem>> -> memref<!tpu.dma_semaphore, #tpu.memory_space<semaphore_mem>>
    %dma_start3A_524 = arith.constant 0 : i32
    %dma_start3A_525 = tpu.memref_slice %arg3[%dma_start3A_524, %multiple_of3A_520] : memref<32x1000000xf32, #tpu.memory_space<hbm>> -> memref<32x1920xf32, #tpu.memory_space<hbm>>
    %dma_start3A_526 = arith.constant 0 : i32
    %dma_start3A_527 = arith.constant 0 : i32
    %dma_start3A_528 = tpu.memref_slice %arg4[%arg1, %dma_start3A_526, %dma_start3A_527] : memref<16x32x1920xf32, #tpu.memory_space<vmem_shared>> -> memref<1x32x1920xf32, #tpu.memory_space<vmem_shared>>
    %dma_start3A_529 = tpu.memref_squeeze %dma_start3A_528 : memref<1x32x1920xf32, #tpu.memory_space<vmem_shared>> -> memref<32x1920xf32, #tpu.memory_space<vmem_shared>>
    tpu.enqueue_dma source(%dma_start3A_529 : memref<32x1920xf32, #tpu.memory_space<vmem_shared>>) target(%dma_start3A_525 : memref<32x1920xf32, #tpu.memory_space<hbm>>) target_semaphore(%dma_start3A_523 : memref<!tpu.dma_semaphore, #tpu.memory_space<semaphore_mem>>)
    %add3A_530 = arith.constant 19200 : i32
    %add3A_531 = arith.addi %mul3A_2, %add3A_530 : i32
    %multiple_of3A_532 = tpu.assume_multiple %add3A_531, 128 : i32
    %dma_wait3A_533 = arith.constant 0 : i32
    %dma_wait3A_534 = tpu.memref_slice %arg8[%dma_wait3A_533] : memref<2x!tpu.dma_semaphore, #tpu.memory_space<semaphore_mem>> -> memref<1x!tpu.dma_semaphore, #tpu.memory_space<semaphore_mem>>
    %dma_wait3A_535 = tpu.memref_squeeze %dma_wait3A_534 : memref<1x!tpu.dma_semaphore, #tpu.memory_space<semaphore_mem>> -> memref<!tpu.dma_semaphore, #tpu.memory_space<semaphore_mem>>
    %dma_wait3A_536 = arith.constant 0 : i32
    %dma_wait3A_537 = tpu.memref_slice %arg3[%dma_wait3A_536, %multiple_of3A_532] : memref<32x1000000xf32, #tpu.memory_space<hbm>> -> memref<32x1920xf32, #tpu.memory_space<hbm>>
    %dma_wait3A_538 = arith.constant 0 : i32
    %dma_wait3A_539 = arith.constant 0 : i32
    %dma_wait3A_540 = tpu.memref_slice %arg4[%arg1, %dma_wait3A_538, %dma_wait3A_539] : memref<16x32x1920xf32, #tpu.memory_space<vmem_shared>> -> memref<1x32x1920xf32, #tpu.memory_space<vmem_shared>>
    %dma_wait3A_541 = tpu.memref_squeeze %dma_wait3A_540 : memref<1x32x1920xf32, #tpu.memory_space<vmem_shared>> -> memref<32x1920xf32, #tpu.memory_space<vmem_shared>>
    tpu.wait_dma2 semaphore(%dma_wait3A_535 : memref<!tpu.dma_semaphore, #tpu.memory_space<semaphore_mem>>) src(%dma_wait3A_541 : memref<32x1920xf32, #tpu.memory_space<vmem_shared>>) dst(%dma_wait3A_537 : memref<32x1920xf32, #tpu.memory_space<hbm>>)
    %add3A_542 = arith.constant 23040 : i32
    %add3A_543 = arith.addi %mul3A_2, %add3A_542 : i32
    %multiple_of3A_544 = tpu.assume_multiple %add3A_543, 128 : i32
    %dma_start3A_545 = arith.constant 0 : i32
    %dma_start3A_546 = tpu.memref_slice %arg7[%dma_start3A_545] : memref<2x!tpu.dma_semaphore, #tpu.memory_space<semaphore_mem>> -> memref<1x!tpu.dma_semaphore, #tpu.memory_space<semaphore_mem>>
    %dma_start3A_547 = tpu.memref_squeeze %dma_start3A_546 : memref<1x!tpu.dma_semaphore, #tpu.memory_space<semaphore_mem>> -> memref<!tpu.dma_semaphore, #tpu.memory_space<semaphore_mem>>
    %dma_start3A_548 = arith.constant 0 : i32
    %dma_start3A_549 = arith.constant 0 : i32
    %dma_start3A_550 = tpu.memref_slice %arg4[%arg1, %dma_start3A_548, %dma_start3A_549] : memref<16x32x1920xf32, #tpu.memory_space<vmem_shared>> -> memref<1x32x1920xf32, #tpu.memory_space<vmem_shared>>
    %dma_start3A_551 = tpu.memref_squeeze %dma_start3A_550 : memref<1x32x1920xf32, #tpu.memory_space<vmem_shared>> -> memref<32x1920xf32, #tpu.memory_space<vmem_shared>>
    %dma_start3A_552 = arith.constant 0 : i32
    %dma_start3A_553 = tpu.memref_slice %arg2[%dma_start3A_552, %multiple_of3A_544] : memref<32x1000000xf32, #tpu.memory_space<hbm>> -> memref<32x1920xf32, #tpu.memory_space<hbm>>
    tpu.enqueue_dma source(%dma_start3A_553 : memref<32x1920xf32, #tpu.memory_space<hbm>>) target(%dma_start3A_551 : memref<32x1920xf32, #tpu.memory_space<vmem_shared>>) target_semaphore(%dma_start3A_547 : memref<!tpu.dma_semaphore, #tpu.memory_space<semaphore_mem>>)
    %add3A_554 = arith.constant 21120 : i32
    %add3A_555 = arith.addi %mul3A_2, %add3A_554 : i32
    %multiple_of3A_556 = tpu.assume_multiple %add3A_555, 128 : i32
    %dma_wait3A_557 = arith.constant 1 : i32
    %dma_wait3A_558 = tpu.memref_slice %arg7[%dma_wait3A_557] : memref<2x!tpu.dma_semaphore, #tpu.memory_space<semaphore_mem>> -> memref<1x!tpu.dma_semaphore, #tpu.memory_space<semaphore_mem>>
    %dma_wait3A_559 = tpu.memref_squeeze %dma_wait3A_558 : memref<1x!tpu.dma_semaphore, #tpu.memory_space<semaphore_mem>> -> memref<!tpu.dma_semaphore, #tpu.memory_space<semaphore_mem>>
    %dma_wait3A_560 = arith.constant 0 : i32
    %dma_wait3A_561 = arith.constant 0 : i32
    %dma_wait3A_562 = tpu.memref_slice %arg5[%arg1, %dma_wait3A_560, %dma_wait3A_561] : memref<16x32x1920xf32, #tpu.memory_space<vmem_shared>> -> memref<1x32x1920xf32, #tpu.memory_space<vmem_shared>>
    %dma_wait3A_563 = tpu.memref_squeeze %dma_wait3A_562 : memref<1x32x1920xf32, #tpu.memory_space<vmem_shared>> -> memref<32x1920xf32, #tpu.memory_space<vmem_shared>>
    %dma_wait3A_564 = arith.constant 0 : i32
    %dma_wait3A_565 = tpu.memref_slice %arg2[%dma_wait3A_564, %multiple_of3A_556] : memref<32x1000000xf32, #tpu.memory_space<hbm>> -> memref<32x1920xf32, #tpu.memory_space<hbm>>
    tpu.wait_dma2 semaphore(%dma_wait3A_559 : memref<!tpu.dma_semaphore, #tpu.memory_space<semaphore_mem>>) src(%dma_wait3A_565 : memref<32x1920xf32, #tpu.memory_space<hbm>>) dst(%dma_wait3A_563 : memref<32x1920xf32, #tpu.memory_space<vmem_shared>>)
    %add3A_566 = arith.constant 21120 : i32
    %add3A_567 = arith.addi %mul3A_2, %add3A_566 : i32
    %multiple_of3A_568 = tpu.assume_multiple %add3A_567, 128 : i32
    %dma_start3A_569 = arith.constant 1 : i32
    %dma_start3A_570 = tpu.memref_slice %arg8[%dma_start3A_569] : memref<2x!tpu.dma_semaphore, #tpu.memory_space<semaphore_mem>> -> memref<1x!tpu.dma_semaphore, #tpu.memory_space<semaphore_mem>>
    %dma_start3A_571 = tpu.memref_squeeze %dma_start3A_570 : memref<1x!tpu.dma_semaphore, #tpu.memory_space<semaphore_mem>> -> memref<!tpu.dma_semaphore, #tpu.memory_space<semaphore_mem>>
    %dma_start3A_572 = arith.constant 0 : i32
    %dma_start3A_573 = tpu.memref_slice %arg3[%dma_start3A_572, %multiple_of3A_568] : memref<32x1000000xf32, #tpu.memory_space<hbm>> -> memref<32x1920xf32, #tpu.memory_space<hbm>>
    %dma_start3A_574 = arith.constant 0 : i32
    %dma_start3A_575 = arith.constant 0 : i32
    %dma_start3A_576 = tpu.memref_slice %arg5[%arg1, %dma_start3A_574, %dma_start3A_575] : memref<16x32x1920xf32, #tpu.memory_space<vmem_shared>> -> memref<1x32x1920xf32, #tpu.memory_space<vmem_shared>>
    %dma_start3A_577 = tpu.memref_squeeze %dma_start3A_576 : memref<1x32x1920xf32, #tpu.memory_space<vmem_shared>> -> memref<32x1920xf32, #tpu.memory_space<vmem_shared>>
    tpu.enqueue_dma source(%dma_start3A_577 : memref<32x1920xf32, #tpu.memory_space<vmem_shared>>) target(%dma_start3A_573 : memref<32x1920xf32, #tpu.memory_space<hbm>>) target_semaphore(%dma_start3A_571 : memref<!tpu.dma_semaphore, #tpu.memory_space<semaphore_mem>>)
    %add3A_578 = arith.constant 21120 : i32
    %add3A_579 = arith.addi %mul3A_2, %add3A_578 : i32
    %multiple_of3A_580 = tpu.assume_multiple %add3A_579, 128 : i32
    %dma_wait3A_581 = arith.constant 1 : i32
    %dma_wait3A_582 = tpu.memref_slice %arg8[%dma_wait3A_581] : memref<2x!tpu.dma_semaphore, #tpu.memory_space<semaphore_mem>> -> memref<1x!tpu.dma_semaphore, #tpu.memory_space<semaphore_mem>>
    %dma_wait3A_583 = tpu.memref_squeeze %dma_wait3A_582 : memref<1x!tpu.dma_semaphore, #tpu.memory_space<semaphore_mem>> -> memref<!tpu.dma_semaphore, #tpu.memory_space<semaphore_mem>>
    %dma_wait3A_584 = arith.constant 0 : i32
    %dma_wait3A_585 = tpu.memref_slice %arg3[%dma_wait3A_584, %multiple_of3A_580] : memref<32x1000000xf32, #tpu.memory_space<hbm>> -> memref<32x1920xf32, #tpu.memory_space<hbm>>
    %dma_wait3A_586 = arith.constant 0 : i32
    %dma_wait3A_587 = arith.constant 0 : i32
    %dma_wait3A_588 = tpu.memref_slice %arg5[%arg1, %dma_wait3A_586, %dma_wait3A_587] : memref<16x32x1920xf32, #tpu.memory_space<vmem_shared>> -> memref<1x32x1920xf32, #tpu.memory_space<vmem_shared>>
    %dma_wait3A_589 = tpu.memref_squeeze %dma_wait3A_588 : memref<1x32x1920xf32, #tpu.memory_space<vmem_shared>> -> memref<32x1920xf32, #tpu.memory_space<vmem_shared>>
    tpu.wait_dma2 semaphore(%dma_wait3A_583 : memref<!tpu.dma_semaphore, #tpu.memory_space<semaphore_mem>>) src(%dma_wait3A_589 : memref<32x1920xf32, #tpu.memory_space<vmem_shared>>) dst(%dma_wait3A_585 : memref<32x1920xf32, #tpu.memory_space<hbm>>)
    %add3A_590 = arith.constant 24960 : i32
    %add3A_591 = arith.addi %mul3A_2, %add3A_590 : i32
    %multiple_of3A_592 = tpu.assume_multiple %add3A_591, 128 : i32
    %dma_start3A_593 = arith.constant 1 : i32
    %dma_start3A_594 = tpu.memref_slice %arg7[%dma_start3A_593] : memref<2x!tpu.dma_semaphore, #tpu.memory_space<semaphore_mem>> -> memref<1x!tpu.dma_semaphore, #tpu.memory_space<semaphore_mem>>
    %dma_start3A_595 = tpu.memref_squeeze %dma_start3A_594 : memref<1x!tpu.dma_semaphore, #tpu.memory_space<semaphore_mem>> -> memref<!tpu.dma_semaphore, #tpu.memory_space<semaphore_mem>>
    %dma_start3A_596 = arith.constant 0 : i32
    %dma_start3A_597 = arith.constant 0 : i32
    %dma_start3A_598 = tpu.memref_slice %arg5[%arg1, %dma_start3A_596, %dma_start3A_597] : memref<16x32x1920xf32, #tpu.memory_space<vmem_shared>> -> memref<1x32x1920xf32, #tpu.memory_space<vmem_shared>>
    %dma_start3A_599 = tpu.memref_squeeze %dma_start3A_598 : memref<1x32x1920xf32, #tpu.memory_space<vmem_shared>> -> memref<32x1920xf32, #tpu.memory_space<vmem_shared>>
    %dma_start3A_600 = arith.constant 0 : i32
    %dma_start3A_601 = tpu.memref_slice %arg2[%dma_start3A_600, %multiple_of3A_592] : memref<32x1000000xf32, #tpu.memory_space<hbm>> -> memref<32x1920xf32, #tpu.memory_space<hbm>>
    tpu.enqueue_dma source(%dma_start3A_601 : memref<32x1920xf32, #tpu.memory_space<hbm>>) target(%dma_start3A_599 : memref<32x1920xf32, #tpu.memory_space<vmem_shared>>) target_semaphore(%dma_start3A_595 : memref<!tpu.dma_semaphore, #tpu.memory_space<semaphore_mem>>)
    %add3A_602 = arith.constant 23040 : i32
    %add3A_603 = arith.addi %mul3A_2, %add3A_602 : i32
    %multiple_of3A_604 = tpu.assume_multiple %add3A_603, 128 : i32
    %dma_wait3A_605 = arith.constant 0 : i32
    %dma_wait3A_606 = tpu.memref_slice %arg7[%dma_wait3A_605] : memref<2x!tpu.dma_semaphore, #tpu.memory_space<semaphore_mem>> -> memref<1x!tpu.dma_semaphore, #tpu.memory_space<semaphore_mem>>
    %dma_wait3A_607 = tpu.memref_squeeze %dma_wait3A_606 : memref<1x!tpu.dma_semaphore, #tpu.memory_space<semaphore_mem>> -> memref<!tpu.dma_semaphore, #tpu.memory_space<semaphore_mem>>
    %dma_wait3A_608 = arith.constant 0 : i32
    %dma_wait3A_609 = arith.constant 0 : i32
    %dma_wait3A_610 = tpu.memref_slice %arg4[%arg1, %dma_wait3A_608, %dma_wait3A_609] : memref<16x32x1920xf32, #tpu.memory_space<vmem_shared>> -> memref<1x32x1920xf32, #tpu.memory_space<vmem_shared>>
    %dma_wait3A_611 = tpu.memref_squeeze %dma_wait3A_610 : memref<1x32x1920xf32, #tpu.memory_space<vmem_shared>> -> memref<32x1920xf32, #tpu.memory_space<vmem_shared>>
    %dma_wait3A_612 = arith.constant 0 : i32
    %dma_wait3A_613 = tpu.memref_slice %arg2[%dma_wait3A_612, %multiple_of3A_604] : memref<32x1000000xf32, #tpu.memory_space<hbm>> -> memref<32x1920xf32, #tpu.memory_space<hbm>>
    tpu.wait_dma2 semaphore(%dma_wait3A_607 : memref<!tpu.dma_semaphore, #tpu.memory_space<semaphore_mem>>) src(%dma_wait3A_613 : memref<32x1920xf32, #tpu.memory_space<hbm>>) dst(%dma_wait3A_611 : memref<32x1920xf32, #tpu.memory_space<vmem_shared>>)
    %add3A_614 = arith.constant 23040 : i32
    %add3A_615 = arith.addi %mul3A_2, %add3A_614 : i32
    %multiple_of3A_616 = tpu.assume_multiple %add3A_615, 128 : i32
    %dma_start3A_617 = arith.constant 0 : i32
    %dma_start3A_618 = tpu.memref_slice %arg8[%dma_start3A_617] : memref<2x!tpu.dma_semaphore, #tpu.memory_space<semaphore_mem>> -> memref<1x!tpu.dma_semaphore, #tpu.memory_space<semaphore_mem>>
    %dma_start3A_619 = tpu.memref_squeeze %dma_start3A_618 : memref<1x!tpu.dma_semaphore, #tpu.memory_space<semaphore_mem>> -> memref<!tpu.dma_semaphore, #tpu.memory_space<semaphore_mem>>
    %dma_start3A_620 = arith.constant 0 : i32
    %dma_start3A_621 = tpu.memref_slice %arg3[%dma_start3A_620, %multiple_of3A_616] : memref<32x1000000xf32, #tpu.memory_space<hbm>> -> memref<32x1920xf32, #tpu.memory_space<hbm>>
    %dma_start3A_622 = arith.constant 0 : i32
    %dma_start3A_623 = arith.constant 0 : i32
    %dma_start3A_624 = tpu.memref_slice %arg4[%arg1, %dma_start3A_622, %dma_start3A_623] : memref<16x32x1920xf32, #tpu.memory_space<vmem_shared>> -> memref<1x32x1920xf32, #tpu.memory_space<vmem_shared>>
    %dma_start3A_625 = tpu.memref_squeeze %dma_start3A_624 : memref<1x32x1920xf32, #tpu.memory_space<vmem_shared>> -> memref<32x1920xf32, #tpu.memory_space<vmem_shared>>
    tpu.enqueue_dma source(%dma_start3A_625 : memref<32x1920xf32, #tpu.memory_space<vmem_shared>>) target(%dma_start3A_621 : memref<32x1920xf32, #tpu.memory_space<hbm>>) target_semaphore(%dma_start3A_619 : memref<!tpu.dma_semaphore, #tpu.memory_space<semaphore_mem>>)
    %add3A_626 = arith.constant 23040 : i32
    %add3A_627 = arith.addi %mul3A_2, %add3A_626 : i32
    %multiple_of3A_628 = tpu.assume_multiple %add3A_627, 128 : i32
    %dma_wait3A_629 = arith.constant 0 : i32
    %dma_wait3A_630 = tpu.memref_slice %arg8[%dma_wait3A_629] : memref<2x!tpu.dma_semaphore, #tpu.memory_space<semaphore_mem>> -> memref<1x!tpu.dma_semaphore, #tpu.memory_space<semaphore_mem>>
    %dma_wait3A_631 = tpu.memref_squeeze %dma_wait3A_630 : memref<1x!tpu.dma_semaphore, #tpu.memory_space<semaphore_mem>> -> memref<!tpu.dma_semaphore, #tpu.memory_space<semaphore_mem>>
    %dma_wait3A_632 = arith.constant 0 : i32
    %dma_wait3A_633 = tpu.memref_slice %arg3[%dma_wait3A_632, %multiple_of3A_628] : memref<32x1000000xf32, #tpu.memory_space<hbm>> -> memref<32x1920xf32, #tpu.memory_space<hbm>>
    %dma_wait3A_634 = arith.constant 0 : i32
    %dma_wait3A_635 = arith.constant 0 : i32
    %dma_wait3A_636 = tpu.memref_slice %arg4[%arg1, %dma_wait3A_634, %dma_wait3A_635] : memref<16x32x1920xf32, #tpu.memory_space<vmem_shared>> -> memref<1x32x1920xf32, #tpu.memory_space<vmem_shared>>
    %dma_wait3A_637 = tpu.memref_squeeze %dma_wait3A_636 : memref<1x32x1920xf32, #tpu.memory_space<vmem_shared>> -> memref<32x1920xf32, #tpu.memory_space<vmem_shared>>
    tpu.wait_dma2 semaphore(%dma_wait3A_631 : memref<!tpu.dma_semaphore, #tpu.memory_space<semaphore_mem>>) src(%dma_wait3A_637 : memref<32x1920xf32, #tpu.memory_space<vmem_shared>>) dst(%dma_wait3A_633 : memref<32x1920xf32, #tpu.memory_space<hbm>>)
    %add3A_638 = arith.constant 26880 : i32
    %add3A_639 = arith.addi %mul3A_2, %add3A_638 : i32
    %multiple_of3A_640 = tpu.assume_multiple %add3A_639, 128 : i32
    %dma_start3A_641 = arith.constant 0 : i32
    %dma_start3A_642 = tpu.memref_slice %arg7[%dma_start3A_641] : memref<2x!tpu.dma_semaphore, #tpu.memory_space<semaphore_mem>> -> memref<1x!tpu.dma_semaphore, #tpu.memory_space<semaphore_mem>>
    %dma_start3A_643 = tpu.memref_squeeze %dma_start3A_642 : memref<1x!tpu.dma_semaphore, #tpu.memory_space<semaphore_mem>> -> memref<!tpu.dma_semaphore, #tpu.memory_space<semaphore_mem>>
    %dma_start3A_644 = arith.constant 0 : i32
    %dma_start3A_645 = arith.constant 0 : i32
    %dma_start3A_646 = tpu.memref_slice %arg4[%arg1, %dma_start3A_644, %dma_start3A_645] : memref<16x32x1920xf32, #tpu.memory_space<vmem_shared>> -> memref<1x32x1920xf32, #tpu.memory_space<vmem_shared>>
    %dma_start3A_647 = tpu.memref_squeeze %dma_start3A_646 : memref<1x32x1920xf32, #tpu.memory_space<vmem_shared>> -> memref<32x1920xf32, #tpu.memory_space<vmem_shared>>
    %dma_start3A_648 = arith.constant 0 : i32
    %dma_start3A_649 = tpu.memref_slice %arg2[%dma_start3A_648, %multiple_of3A_640] : memref<32x1000000xf32, #tpu.memory_space<hbm>> -> memref<32x1920xf32, #tpu.memory_space<hbm>>
    tpu.enqueue_dma source(%dma_start3A_649 : memref<32x1920xf32, #tpu.memory_space<hbm>>) target(%dma_start3A_647 : memref<32x1920xf32, #tpu.memory_space<vmem_shared>>) target_semaphore(%dma_start3A_643 : memref<!tpu.dma_semaphore, #tpu.memory_space<semaphore_mem>>)
    %add3A_650 = arith.constant 24960 : i32
    %add3A_651 = arith.addi %mul3A_2, %add3A_650 : i32
    %multiple_of3A_652 = tpu.assume_multiple %add3A_651, 128 : i32
    %dma_wait3A_653 = arith.constant 1 : i32
    %dma_wait3A_654 = tpu.memref_slice %arg7[%dma_wait3A_653] : memref<2x!tpu.dma_semaphore, #tpu.memory_space<semaphore_mem>> -> memref<1x!tpu.dma_semaphore, #tpu.memory_space<semaphore_mem>>
    %dma_wait3A_655 = tpu.memref_squeeze %dma_wait3A_654 : memref<1x!tpu.dma_semaphore, #tpu.memory_space<semaphore_mem>> -> memref<!tpu.dma_semaphore, #tpu.memory_space<semaphore_mem>>
    %dma_wait3A_656 = arith.constant 0 : i32
    %dma_wait3A_657 = arith.constant 0 : i32
    %dma_wait3A_658 = tpu.memref_slice %arg5[%arg1, %dma_wait3A_656, %dma_wait3A_657] : memref<16x32x1920xf32, #tpu.memory_space<vmem_shared>> -> memref<1x32x1920xf32, #tpu.memory_space<vmem_shared>>
    %dma_wait3A_659 = tpu.memref_squeeze %dma_wait3A_658 : memref<1x32x1920xf32, #tpu.memory_space<vmem_shared>> -> memref<32x1920xf32, #tpu.memory_space<vmem_shared>>
    %dma_wait3A_660 = arith.constant 0 : i32
    %dma_wait3A_661 = tpu.memref_slice %arg2[%dma_wait3A_660, %multiple_of3A_652] : memref<32x1000000xf32, #tpu.memory_space<hbm>> -> memref<32x1920xf32, #tpu.memory_space<hbm>>
    tpu.wait_dma2 semaphore(%dma_wait3A_655 : memref<!tpu.dma_semaphore, #tpu.memory_space<semaphore_mem>>) src(%dma_wait3A_661 : memref<32x1920xf32, #tpu.memory_space<hbm>>) dst(%dma_wait3A_659 : memref<32x1920xf32, #tpu.memory_space<vmem_shared>>)
    %add3A_662 = arith.constant 24960 : i32
    %add3A_663 = arith.addi %mul3A_2, %add3A_662 : i32
    %multiple_of3A_664 = tpu.assume_multiple %add3A_663, 128 : i32
    %dma_start3A_665 = arith.constant 1 : i32
    %dma_start3A_666 = tpu.memref_slice %arg8[%dma_start3A_665] : memref<2x!tpu.dma_semaphore, #tpu.memory_space<semaphore_mem>> -> memref<1x!tpu.dma_semaphore, #tpu.memory_space<semaphore_mem>>
    %dma_start3A_667 = tpu.memref_squeeze %dma_start3A_666 : memref<1x!tpu.dma_semaphore, #tpu.memory_space<semaphore_mem>> -> memref<!tpu.dma_semaphore, #tpu.memory_space<semaphore_mem>>
    %dma_start3A_668 = arith.constant 0 : i32
    %dma_start3A_669 = tpu.memref_slice %arg3[%dma_start3A_668, %multiple_of3A_664] : memref<32x1000000xf32, #tpu.memory_space<hbm>> -> memref<32x1920xf32, #tpu.memory_space<hbm>>
    %dma_start3A_670 = arith.constant 0 : i32
    %dma_start3A_671 = arith.constant 0 : i32
    %dma_start3A_672 = tpu.memref_slice %arg5[%arg1, %dma_start3A_670, %dma_start3A_671] : memref<16x32x1920xf32, #tpu.memory_space<vmem_shared>> -> memref<1x32x1920xf32, #tpu.memory_space<vmem_shared>>
    %dma_start3A_673 = tpu.memref_squeeze %dma_start3A_672 : memref<1x32x1920xf32, #tpu.memory_space<vmem_shared>> -> memref<32x1920xf32, #tpu.memory_space<vmem_shared>>
    tpu.enqueue_dma source(%dma_start3A_673 : memref<32x1920xf32, #tpu.memory_space<vmem_shared>>) target(%dma_start3A_669 : memref<32x1920xf32, #tpu.memory_space<hbm>>) target_semaphore(%dma_start3A_667 : memref<!tpu.dma_semaphore, #tpu.memory_space<semaphore_mem>>)
    %add3A_674 = arith.constant 24960 : i32
    %add3A_675 = arith.addi %mul3A_2, %add3A_674 : i32
    %multiple_of3A_676 = tpu.assume_multiple %add3A_675, 128 : i32
    %dma_wait3A_677 = arith.constant 1 : i32
    %dma_wait3A_678 = tpu.memref_slice %arg8[%dma_wait3A_677] : memref<2x!tpu.dma_semaphore, #tpu.memory_space<semaphore_mem>> -> memref<1x!tpu.dma_semaphore, #tpu.memory_space<semaphore_mem>>
    %dma_wait3A_679 = tpu.memref_squeeze %dma_wait3A_678 : memref<1x!tpu.dma_semaphore, #tpu.memory_space<semaphore_mem>> -> memref<!tpu.dma_semaphore, #tpu.memory_space<semaphore_mem>>
    %dma_wait3A_680 = arith.constant 0 : i32
    %dma_wait3A_681 = tpu.memref_slice %arg3[%dma_wait3A_680, %multiple_of3A_676] : memref<32x1000000xf32, #tpu.memory_space<hbm>> -> memref<32x1920xf32, #tpu.memory_space<hbm>>
    %dma_wait3A_682 = arith.constant 0 : i32
    %dma_wait3A_683 = arith.constant 0 : i32
    %dma_wait3A_684 = tpu.memref_slice %arg5[%arg1, %dma_wait3A_682, %dma_wait3A_683] : memref<16x32x1920xf32, #tpu.memory_space<vmem_shared>> -> memref<1x32x1920xf32, #tpu.memory_space<vmem_shared>>
    %dma_wait3A_685 = tpu.memref_squeeze %dma_wait3A_684 : memref<1x32x1920xf32, #tpu.memory_space<vmem_shared>> -> memref<32x1920xf32, #tpu.memory_space<vmem_shared>>
    tpu.wait_dma2 semaphore(%dma_wait3A_679 : memref<!tpu.dma_semaphore, #tpu.memory_space<semaphore_mem>>) src(%dma_wait3A_685 : memref<32x1920xf32, #tpu.memory_space<vmem_shared>>) dst(%dma_wait3A_681 : memref<32x1920xf32, #tpu.memory_space<hbm>>)
    %add3A_686 = arith.constant 28800 : i32
    %add3A_687 = arith.addi %mul3A_2, %add3A_686 : i32
    %multiple_of3A_688 = tpu.assume_multiple %add3A_687, 128 : i32
    %dma_start3A_689 = arith.constant 1 : i32
    %dma_start3A_690 = tpu.memref_slice %arg7[%dma_start3A_689] : memref<2x!tpu.dma_semaphore, #tpu.memory_space<semaphore_mem>> -> memref<1x!tpu.dma_semaphore, #tpu.memory_space<semaphore_mem>>
    %dma_start3A_691 = tpu.memref_squeeze %dma_start3A_690 : memref<1x!tpu.dma_semaphore, #tpu.memory_space<semaphore_mem>> -> memref<!tpu.dma_semaphore, #tpu.memory_space<semaphore_mem>>
    %dma_start3A_692 = arith.constant 0 : i32
    %dma_start3A_693 = arith.constant 0 : i32
    %dma_start3A_694 = tpu.memref_slice %arg5[%arg1, %dma_start3A_692, %dma_start3A_693] : memref<16x32x1920xf32, #tpu.memory_space<vmem_shared>> -> memref<1x32x1920xf32, #tpu.memory_space<vmem_shared>>
    %dma_start3A_695 = tpu.memref_squeeze %dma_start3A_694 : memref<1x32x1920xf32, #tpu.memory_space<vmem_shared>> -> memref<32x1920xf32, #tpu.memory_space<vmem_shared>>
    %dma_start3A_696 = arith.constant 0 : i32
    %dma_start3A_697 = tpu.memref_slice %arg2[%dma_start3A_696, %multiple_of3A_688] : memref<32x1000000xf32, #tpu.memory_space<hbm>> -> memref<32x1920xf32, #tpu.memory_space<hbm>>
    tpu.enqueue_dma source(%dma_start3A_697 : memref<32x1920xf32, #tpu.memory_space<hbm>>) target(%dma_start3A_695 : memref<32x1920xf32, #tpu.memory_space<vmem_shared>>) target_semaphore(%dma_start3A_691 : memref<!tpu.dma_semaphore, #tpu.memory_space<semaphore_mem>>)
    %add3A_698 = arith.constant 26880 : i32
    %add3A_699 = arith.addi %mul3A_2, %add3A_698 : i32
    %multiple_of3A_700 = tpu.assume_multiple %add3A_699, 128 : i32
    %dma_wait3A_701 = arith.constant 0 : i32
    %dma_wait3A_702 = tpu.memref_slice %arg7[%dma_wait3A_701] : memref<2x!tpu.dma_semaphore, #tpu.memory_space<semaphore_mem>> -> memref<1x!tpu.dma_semaphore, #tpu.memory_space<semaphore_mem>>
    %dma_wait3A_703 = tpu.memref_squeeze %dma_wait3A_702 : memref<1x!tpu.dma_semaphore, #tpu.memory_space<semaphore_mem>> -> memref<!tpu.dma_semaphore, #tpu.memory_space<semaphore_mem>>
    %dma_wait3A_704 = arith.constant 0 : i32
    %dma_wait3A_705 = arith.constant 0 : i32
    %dma_wait3A_706 = tpu.memref_slice %arg4[%arg1, %dma_wait3A_704, %dma_wait3A_705] : memref<16x32x1920xf32, #tpu.memory_space<vmem_shared>> -> memref<1x32x1920xf32, #tpu.memory_space<vmem_shared>>
    %dma_wait3A_707 = tpu.memref_squeeze %dma_wait3A_706 : memref<1x32x1920xf32, #tpu.memory_space<vmem_shared>> -> memref<32x1920xf32, #tpu.memory_space<vmem_shared>>
    %dma_wait3A_708 = arith.constant 0 : i32
    %dma_wait3A_709 = tpu.memref_slice %arg2[%dma_wait3A_708, %multiple_of3A_700] : memref<32x1000000xf32, #tpu.memory_space<hbm>> -> memref<32x1920xf32, #tpu.memory_space<hbm>>
    tpu.wait_dma2 semaphore(%dma_wait3A_703 : memref<!tpu.dma_semaphore, #tpu.memory_space<semaphore_mem>>) src(%dma_wait3A_709 : memref<32x1920xf32, #tpu.memory_space<hbm>>) dst(%dma_wait3A_707 : memref<32x1920xf32, #tpu.memory_space<vmem_shared>>)
    %add3A_710 = arith.constant 26880 : i32
    %add3A_711 = arith.addi %mul3A_2, %add3A_710 : i32
    %multiple_of3A_712 = tpu.assume_multiple %add3A_711, 128 : i32
    %dma_start3A_713 = arith.constant 0 : i32
    %dma_start3A_714 = tpu.memref_slice %arg8[%dma_start3A_713] : memref<2x!tpu.dma_semaphore, #tpu.memory_space<semaphore_mem>> -> memref<1x!tpu.dma_semaphore, #tpu.memory_space<semaphore_mem>>
    %dma_start3A_715 = tpu.memref_squeeze %dma_start3A_714 : memref<1x!tpu.dma_semaphore, #tpu.memory_space<semaphore_mem>> -> memref<!tpu.dma_semaphore, #tpu.memory_space<semaphore_mem>>
    %dma_start3A_716 = arith.constant 0 : i32
    %dma_start3A_717 = tpu.memref_slice %arg3[%dma_start3A_716, %multiple_of3A_712] : memref<32x1000000xf32, #tpu.memory_space<hbm>> -> memref<32x1920xf32, #tpu.memory_space<hbm>>
    %dma_start3A_718 = arith.constant 0 : i32
    %dma_start3A_719 = arith.constant 0 : i32
    %dma_start3A_720 = tpu.memref_slice %arg4[%arg1, %dma_start3A_718, %dma_start3A_719] : memref<16x32x1920xf32, #tpu.memory_space<vmem_shared>> -> memref<1x32x1920xf32, #tpu.memory_space<vmem_shared>>
    %dma_start3A_721 = tpu.memref_squeeze %dma_start3A_720 : memref<1x32x1920xf32, #tpu.memory_space<vmem_shared>> -> memref<32x1920xf32, #tpu.memory_space<vmem_shared>>
    tpu.enqueue_dma source(%dma_start3A_721 : memref<32x1920xf32, #tpu.memory_space<vmem_shared>>) target(%dma_start3A_717 : memref<32x1920xf32, #tpu.memory_space<hbm>>) target_semaphore(%dma_start3A_715 : memref<!tpu.dma_semaphore, #tpu.memory_space<semaphore_mem>>)
    %add3A_722 = arith.constant 26880 : i32
    %add3A_723 = arith.addi %mul3A_2, %add3A_722 : i32
    %multiple_of3A_724 = tpu.assume_multiple %add3A_723, 128 : i32
    %dma_wait3A_725 = arith.constant 0 : i32
    %dma_wait3A_726 = tpu.memref_slice %arg8[%dma_wait3A_725] : memref<2x!tpu.dma_semaphore, #tpu.memory_space<semaphore_mem>> -> memref<1x!tpu.dma_semaphore, #tpu.memory_space<semaphore_mem>>
    %dma_wait3A_727 = tpu.memref_squeeze %dma_wait3A_726 : memref<1x!tpu.dma_semaphore, #tpu.memory_space<semaphore_mem>> -> memref<!tpu.dma_semaphore, #tpu.memory_space<semaphore_mem>>
    %dma_wait3A_728 = arith.constant 0 : i32
    %dma_wait3A_729 = tpu.memref_slice %arg3[%dma_wait3A_728, %multiple_of3A_724] : memref<32x1000000xf32, #tpu.memory_space<hbm>> -> memref<32x1920xf32, #tpu.memory_space<hbm>>
    %dma_wait3A_730 = arith.constant 0 : i32
    %dma_wait3A_731 = arith.constant 0 : i32
    %dma_wait3A_732 = tpu.memref_slice %arg4[%arg1, %dma_wait3A_730, %dma_wait3A_731] : memref<16x32x1920xf32, #tpu.memory_space<vmem_shared>> -> memref<1x32x1920xf32, #tpu.memory_space<vmem_shared>>
    %dma_wait3A_733 = tpu.memref_squeeze %dma_wait3A_732 : memref<1x32x1920xf32, #tpu.memory_space<vmem_shared>> -> memref<32x1920xf32, #tpu.memory_space<vmem_shared>>
    tpu.wait_dma2 semaphore(%dma_wait3A_727 : memref<!tpu.dma_semaphore, #tpu.memory_space<semaphore_mem>>) src(%dma_wait3A_733 : memref<32x1920xf32, #tpu.memory_space<vmem_shared>>) dst(%dma_wait3A_729 : memref<32x1920xf32, #tpu.memory_space<hbm>>)
    %add3A_734 = arith.constant 30720 : i32
    %add3A_735 = arith.addi %mul3A_2, %add3A_734 : i32
    %multiple_of3A_736 = tpu.assume_multiple %add3A_735, 128 : i32
    %dma_start3A_737 = arith.constant 0 : i32
    %dma_start3A_738 = tpu.memref_slice %arg7[%dma_start3A_737] : memref<2x!tpu.dma_semaphore, #tpu.memory_space<semaphore_mem>> -> memref<1x!tpu.dma_semaphore, #tpu.memory_space<semaphore_mem>>
    %dma_start3A_739 = tpu.memref_squeeze %dma_start3A_738 : memref<1x!tpu.dma_semaphore, #tpu.memory_space<semaphore_mem>> -> memref<!tpu.dma_semaphore, #tpu.memory_space<semaphore_mem>>
    %dma_start3A_740 = arith.constant 0 : i32
    %dma_start3A_741 = arith.constant 0 : i32
    %dma_start3A_742 = tpu.memref_slice %arg4[%arg1, %dma_start3A_740, %dma_start3A_741] : memref<16x32x1920xf32, #tpu.memory_space<vmem_shared>> -> memref<1x32x1920xf32, #tpu.memory_space<vmem_shared>>
    %dma_start3A_743 = tpu.memref_squeeze %dma_start3A_742 : memref<1x32x1920xf32, #tpu.memory_space<vmem_shared>> -> memref<32x1920xf32, #tpu.memory_space<vmem_shared>>
    %dma_start3A_744 = arith.constant 0 : i32
    %dma_start3A_745 = arith.constant 0 : i32
    %dma_start3A_746 = tpu.memref_slice %dma_start3A_743[%dma_start3A_744, %dma_start3A_745] : memref<32x1920xf32, #tpu.memory_space<vmem_shared>> -> memref<32x512xf32, #tpu.memory_space<vmem_shared>>
    %dma_start3A_747 = arith.constant 0 : i32
    %dma_start3A_748 = tpu.memref_slice %arg2[%dma_start3A_747, %multiple_of3A_736] : memref<32x1000000xf32, #tpu.memory_space<hbm>> -> memref<32x512xf32, #tpu.memory_space<hbm>>
    tpu.enqueue_dma source(%dma_start3A_748 : memref<32x512xf32, #tpu.memory_space<hbm>>) target(%dma_start3A_746 : memref<32x512xf32, #tpu.memory_space<vmem_shared>>) target_semaphore(%dma_start3A_739 : memref<!tpu.dma_semaphore, #tpu.memory_space<semaphore_mem>>)
    %add3A_749 = arith.constant 28800 : i32
    %add3A_750 = arith.addi %mul3A_2, %add3A_749 : i32
    %multiple_of3A_751 = tpu.assume_multiple %add3A_750, 128 : i32
    %dma_wait3A_752 = arith.constant 1 : i32
    %dma_wait3A_753 = tpu.memref_slice %arg7[%dma_wait3A_752] : memref<2x!tpu.dma_semaphore, #tpu.memory_space<semaphore_mem>> -> memref<1x!tpu.dma_semaphore, #tpu.memory_space<semaphore_mem>>
    %dma_wait3A_754 = tpu.memref_squeeze %dma_wait3A_753 : memref<1x!tpu.dma_semaphore, #tpu.memory_space<semaphore_mem>> -> memref<!tpu.dma_semaphore, #tpu.memory_space<semaphore_mem>>
    %dma_wait3A_755 = arith.constant 0 : i32
    %dma_wait3A_756 = arith.constant 0 : i32
    %dma_wait3A_757 = tpu.memref_slice %arg5[%arg1, %dma_wait3A_755, %dma_wait3A_756] : memref<16x32x1920xf32, #tpu.memory_space<vmem_shared>> -> memref<1x32x1920xf32, #tpu.memory_space<vmem_shared>>
    %dma_wait3A_758 = tpu.memref_squeeze %dma_wait3A_757 : memref<1x32x1920xf32, #tpu.memory_space<vmem_shared>> -> memref<32x1920xf32, #tpu.memory_space<vmem_shared>>
    %dma_wait3A_759 = arith.constant 0 : i32
    %dma_wait3A_760 = tpu.memref_slice %arg2[%dma_wait3A_759, %multiple_of3A_751] : memref<32x1000000xf32, #tpu.memory_space<hbm>> -> memref<32x1920xf32, #tpu.memory_space<hbm>>
    tpu.wait_dma2 semaphore(%dma_wait3A_754 : memref<!tpu.dma_semaphore, #tpu.memory_space<semaphore_mem>>) src(%dma_wait3A_760 : memref<32x1920xf32, #tpu.memory_space<hbm>>) dst(%dma_wait3A_758 : memref<32x1920xf32, #tpu.memory_space<vmem_shared>>)
    %add3A_761 = arith.constant 28800 : i32
    %add3A_762 = arith.addi %mul3A_2, %add3A_761 : i32
    %multiple_of3A_763 = tpu.assume_multiple %add3A_762, 128 : i32
    %dma_start3A_764 = arith.constant 1 : i32
    %dma_start3A_765 = tpu.memref_slice %arg8[%dma_start3A_764] : memref<2x!tpu.dma_semaphore, #tpu.memory_space<semaphore_mem>> -> memref<1x!tpu.dma_semaphore, #tpu.memory_space<semaphore_mem>>
    %dma_start3A_766 = tpu.memref_squeeze %dma_start3A_765 : memref<1x!tpu.dma_semaphore, #tpu.memory_space<semaphore_mem>> -> memref<!tpu.dma_semaphore, #tpu.memory_space<semaphore_mem>>
    %dma_start3A_767 = arith.constant 0 : i32
    %dma_start3A_768 = tpu.memref_slice %arg3[%dma_start3A_767, %multiple_of3A_763] : memref<32x1000000xf32, #tpu.memory_space<hbm>> -> memref<32x1920xf32, #tpu.memory_space<hbm>>
    %dma_start3A_769 = arith.constant 0 : i32
    %dma_start3A_770 = arith.constant 0 : i32
    %dma_start3A_771 = tpu.memref_slice %arg5[%arg1, %dma_start3A_769, %dma_start3A_770] : memref<16x32x1920xf32, #tpu.memory_space<vmem_shared>> -> memref<1x32x1920xf32, #tpu.memory_space<vmem_shared>>
    %dma_start3A_772 = tpu.memref_squeeze %dma_start3A_771 : memref<1x32x1920xf32, #tpu.memory_space<vmem_shared>> -> memref<32x1920xf32, #tpu.memory_space<vmem_shared>>
    tpu.enqueue_dma source(%dma_start3A_772 : memref<32x1920xf32, #tpu.memory_space<vmem_shared>>) target(%dma_start3A_768 : memref<32x1920xf32, #tpu.memory_space<hbm>>) target_semaphore(%dma_start3A_766 : memref<!tpu.dma_semaphore, #tpu.memory_space<semaphore_mem>>)
    %add3A_773 = arith.constant 30720 : i32
    %add3A_774 = arith.addi %mul3A_2, %add3A_773 : i32
    %multiple_of3A_775 = tpu.assume_multiple %add3A_774, 128 : i32
    %dma_wait3A_776 = arith.constant 0 : i32
    %dma_wait3A_777 = tpu.memref_slice %arg7[%dma_wait3A_776] : memref<2x!tpu.dma_semaphore, #tpu.memory_space<semaphore_mem>> -> memref<1x!tpu.dma_semaphore, #tpu.memory_space<semaphore_mem>>
    %dma_wait3A_778 = tpu.memref_squeeze %dma_wait3A_777 : memref<1x!tpu.dma_semaphore, #tpu.memory_space<semaphore_mem>> -> memref<!tpu.dma_semaphore, #tpu.memory_space<semaphore_mem>>
    %dma_wait3A_779 = arith.constant 0 : i32
    %dma_wait3A_780 = arith.constant 0 : i32
    %dma_wait3A_781 = tpu.memref_slice %arg4[%arg1, %dma_wait3A_779, %dma_wait3A_780] : memref<16x32x1920xf32, #tpu.memory_space<vmem_shared>> -> memref<1x32x1920xf32, #tpu.memory_space<vmem_shared>>
    %dma_wait3A_782 = tpu.memref_squeeze %dma_wait3A_781 : memref<1x32x1920xf32, #tpu.memory_space<vmem_shared>> -> memref<32x1920xf32, #tpu.memory_space<vmem_shared>>
    %dma_wait3A_783 = arith.constant 0 : i32
    %dma_wait3A_784 = arith.constant 0 : i32
    %dma_wait3A_785 = tpu.memref_slice %dma_wait3A_782[%dma_wait3A_783, %dma_wait3A_784] : memref<32x1920xf32, #tpu.memory_space<vmem_shared>> -> memref<32x512xf32, #tpu.memory_space<vmem_shared>>
    %dma_wait3A_786 = arith.constant 0 : i32
    %dma_wait3A_787 = tpu.memref_slice %arg2[%dma_wait3A_786, %multiple_of3A_775] : memref<32x1000000xf32, #tpu.memory_space<hbm>> -> memref<32x512xf32, #tpu.memory_space<hbm>>
    tpu.wait_dma2 semaphore(%dma_wait3A_778 : memref<!tpu.dma_semaphore, #tpu.memory_space<semaphore_mem>>) src(%dma_wait3A_787 : memref<32x512xf32, #tpu.memory_space<hbm>>) dst(%dma_wait3A_785 : memref<32x512xf32, #tpu.memory_space<vmem_shared>>)
    %add3A_788 = arith.constant 30720 : i32
    %add3A_789 = arith.addi %mul3A_2, %add3A_788 : i32
    %multiple_of3A_790 = tpu.assume_multiple %add3A_789, 128 : i32
    %dma_start3A_791 = arith.constant 0 : i32
    %dma_start3A_792 = tpu.memref_slice %arg8[%dma_start3A_791] : memref<2x!tpu.dma_semaphore, #tpu.memory_space<semaphore_mem>> -> memref<1x!tpu.dma_semaphore, #tpu.memory_space<semaphore_mem>>
    %dma_start3A_793 = tpu.memref_squeeze %dma_start3A_792 : memref<1x!tpu.dma_semaphore, #tpu.memory_space<semaphore_mem>> -> memref<!tpu.dma_semaphore, #tpu.memory_space<semaphore_mem>>
    %dma_start3A_794 = arith.constant 0 : i32
    %dma_start3A_795 = tpu.memref_slice %arg3[%dma_start3A_794, %multiple_of3A_790] : memref<32x1000000xf32, #tpu.memory_space<hbm>> -> memref<32x512xf32, #tpu.memory_space<hbm>>
    %dma_start3A_796 = arith.constant 0 : i32
    %dma_start3A_797 = arith.constant 0 : i32
    %dma_start3A_798 = tpu.memref_slice %arg4[%arg1, %dma_start3A_796, %dma_start3A_797] : memref<16x32x1920xf32, #tpu.memory_space<vmem_shared>> -> memref<1x32x1920xf32, #tpu.memory_space<vmem_shared>>
    %dma_start3A_799 = tpu.memref_squeeze %dma_start3A_798 : memref<1x32x1920xf32, #tpu.memory_space<vmem_shared>> -> memref<32x1920xf32, #tpu.memory_space<vmem_shared>>
    %dma_start3A_800 = arith.constant 0 : i32
    %dma_start3A_801 = arith.constant 0 : i32
    %dma_start3A_802 = tpu.memref_slice %dma_start3A_799[%dma_start3A_800, %dma_start3A_801] : memref<32x1920xf32, #tpu.memory_space<vmem_shared>> -> memref<32x512xf32, #tpu.memory_space<vmem_shared>>
    tpu.enqueue_dma source(%dma_start3A_802 : memref<32x512xf32, #tpu.memory_space<vmem_shared>>) target(%dma_start3A_795 : memref<32x512xf32, #tpu.memory_space<hbm>>) target_semaphore(%dma_start3A_793 : memref<!tpu.dma_semaphore, #tpu.memory_space<semaphore_mem>>)
    %add3A_803 = arith.constant 28800 : i32
    %add3A_804 = arith.addi %mul3A_2, %add3A_803 : i32
    %multiple_of3A_805 = tpu.assume_multiple %add3A_804, 128 : i32
    %dma_wait3A_806 = arith.constant 1 : i32
    %dma_wait3A_807 = tpu.memref_slice %arg8[%dma_wait3A_806] : memref<2x!tpu.dma_semaphore, #tpu.memory_space<semaphore_mem>> -> memref<1x!tpu.dma_semaphore, #tpu.memory_space<semaphore_mem>>
    %dma_wait3A_808 = tpu.memref_squeeze %dma_wait3A_807 : memref<1x!tpu.dma_semaphore, #tpu.memory_space<semaphore_mem>> -> memref<!tpu.dma_semaphore, #tpu.memory_space<semaphore_mem>>
    %dma_wait3A_809 = arith.constant 0 : i32
    %dma_wait3A_810 = tpu.memref_slice %arg3[%dma_wait3A_809, %multiple_of3A_805] : memref<32x1000000xf32, #tpu.memory_space<hbm>> -> memref<32x1920xf32, #tpu.memory_space<hbm>>
    %dma_wait3A_811 = arith.constant 0 : i32
    %dma_wait3A_812 = arith.constant 0 : i32
    %dma_wait3A_813 = tpu.memref_slice %arg5[%arg1, %dma_wait3A_811, %dma_wait3A_812] : memref<16x32x1920xf32, #tpu.memory_space<vmem_shared>> -> memref<1x32x1920xf32, #tpu.memory_space<vmem_shared>>
    %dma_wait3A_814 = tpu.memref_squeeze %dma_wait3A_813 : memref<1x32x1920xf32, #tpu.memory_space<vmem_shared>> -> memref<32x1920xf32, #tpu.memory_space<vmem_shared>>
    tpu.wait_dma2 semaphore(%dma_wait3A_808 : memref<!tpu.dma_semaphore, #tpu.memory_space<semaphore_mem>>) src(%dma_wait3A_814 : memref<32x1920xf32, #tpu.memory_space<vmem_shared>>) dst(%dma_wait3A_810 : memref<32x1920xf32, #tpu.memory_space<hbm>>)
    %add3A_815 = arith.constant 30720 : i32
    %add3A_816 = arith.addi %mul3A_2, %add3A_815 : i32
    %multiple_of3A_817 = tpu.assume_multiple %add3A_816, 128 : i32
    %dma_wait3A_818 = arith.constant 0 : i32
    %dma_wait3A_819 = tpu.memref_slice %arg8[%dma_wait3A_818] : memref<2x!tpu.dma_semaphore, #tpu.memory_space<semaphore_mem>> -> memref<1x!tpu.dma_semaphore, #tpu.memory_space<semaphore_mem>>
    %dma_wait3A_820 = tpu.memref_squeeze %dma_wait3A_819 : memref<1x!tpu.dma_semaphore, #tpu.memory_space<semaphore_mem>> -> memref<!tpu.dma_semaphore, #tpu.memory_space<semaphore_mem>>
    %dma_wait3A_821 = arith.constant 0 : i32
    %dma_wait3A_822 = tpu.memref_slice %arg3[%dma_wait3A_821, %multiple_of3A_817] : memref<32x1000000xf32, #tpu.memory_space<hbm>> -> memref<32x512xf32, #tpu.memory_space<hbm>>
    %dma_wait3A_823 = arith.constant 0 : i32
    %dma_wait3A_824 = arith.constant 0 : i32
    %dma_wait3A_825 = tpu.memref_slice %arg4[%arg1, %dma_wait3A_823, %dma_wait3A_824] : memref<16x32x1920xf32, #tpu.memory_space<vmem_shared>> -> memref<1x32x1920xf32, #tpu.memory_space<vmem_shared>>
    %dma_wait3A_826 = tpu.memref_squeeze %dma_wait3A_825 : memref<1x32x1920xf32, #tpu.memory_space<vmem_shared>> -> memref<32x1920xf32, #tpu.memory_space<vmem_shared>>
    %dma_wait3A_827 = arith.constant 0 : i32
    %dma_wait3A_828 = arith.constant 0 : i32
    %dma_wait3A_829 = tpu.memref_slice %dma_wait3A_826[%dma_wait3A_827, %dma_wait3A_828] : memref<32x1920xf32, #tpu.memory_space<vmem_shared>> -> memref<32x512xf32, #tpu.memory_space<vmem_shared>>
    tpu.wait_dma2 semaphore(%dma_wait3A_820 : memref<!tpu.dma_semaphore, #tpu.memory_space<semaphore_mem>>) src(%dma_wait3A_829 : memref<32x512xf32, #tpu.memory_space<vmem_shared>>) dst(%dma_wait3A_822 : memref<32x512xf32, #tpu.memory_space<hbm>>)
    %convert_element_type3A_830 = arith.extui %le3A_3 : i1 to i32
    %cond3A_831 = arith.constant 0 : i32
    %cond3A_832 = arith.cmpi ne, %convert_element_type3A_830, %cond3A_831 : i32
    scf.if %cond3A_832 {
      %add3A_833 = arith.constant 7808 : i32
      %add3A_834 = arith.addi %add3A_833, %add3A : i32
      %mul3A_835 = arith.constant 128 : i32
      %mul3A_836 = arith.muli %add3A_834, %mul3A_835 : i32
      %eq3A = arith.constant 4 : i32
      %eq3A_837 = arith.cmpi eq, %add3A, %eq3A : i32
      %jit3A = arith.constant 999936 : i32
      %select_n3A = arith.select %eq3A_837, %jit3A, %mul3A_836 : i32
      %multiple_of3A_838 = tpu.assume_multiple %select_n3A, 128 : i32
      %dma_wait3A_839 = arith.constant 0 : i32
      %dma_wait3A_840 = tpu.memref_slice %arg2[%dma_wait3A_839, %multiple_of3A_838] : memref<32x1000000xf32, #tpu.memory_space<hbm>> -> memref<32x128xf32, #tpu.memory_space<hbm>>
      %dma_wait3A_841 = arith.constant 0 : i32
      %dma_wait3A_842 = tpu.memref_slice %arg2[%dma_wait3A_841, %multiple_of3A_838] : memref<32x1000000xf32, #tpu.memory_space<hbm>> -> memref<32x128xf32, #tpu.memory_space<hbm>>
      tpu.wait_dma2 semaphore(%arg9 : memref<!tpu.dma_semaphore, #tpu.memory_space<semaphore_mem>>) src(%dma_wait3A_842 : memref<32x128xf32, #tpu.memory_space<hbm>>) dst(%arg6 : memref<32x128xf32, #tpu.memory_space<vmem>>)
      %add3A_843 = arith.constant 7808 : i32
      %add3A_844 = arith.addi %add3A_843, %add3A : i32
      %mul3A_845 = arith.constant 128 : i32
      %mul3A_846 = arith.muli %add3A_844, %mul3A_845 : i32
      %eq3A_847 = arith.constant 4 : i32
      %eq3A_848 = arith.cmpi eq, %add3A, %eq3A_847 : i32
      %jit3A_849 = arith.constant 999936 : i32
      %select_n3A_850 = arith.select %eq3A_848, %jit3A_849, %mul3A_846 : i32
      %multiple_of3A_851 = tpu.assume_multiple %select_n3A_850, 128 : i32
      %dma_start3A_852 = arith.constant 0 : i32
      %dma_start3A_853 = tpu.memref_slice %arg3[%dma_start3A_852, %multiple_of3A_851] : memref<32x1000000xf32, #tpu.memory_space<hbm>> -> memref<32x128xf32, #tpu.memory_space<hbm>>
      %dma_start3A_854 = arith.constant 0 : i32
      %dma_start3A_855 = tpu.memref_slice %arg3[%dma_start3A_854, %multiple_of3A_851] : memref<32x1000000xf32, #tpu.memory_space<hbm>> -> memref<32x128xf32, #tpu.memory_space<hbm>>
      tpu.enqueue_dma source(%arg6 : memref<32x128xf32, #tpu.memory_space<vmem>>) target(%dma_start3A_855 : memref<32x128xf32, #tpu.memory_space<hbm>>) target_semaphore(%arg9 : memref<!tpu.dma_semaphore, #tpu.memory_space<semaphore_mem>>)
      %add3A_856 = arith.constant 7808 : i32
      %add3A_857 = arith.addi %add3A_856, %add3A : i32
      %mul3A_858 = arith.constant 128 : i32
      %mul3A_859 = arith.muli %add3A_857, %mul3A_858 : i32
      %eq3A_860 = arith.constant 4 : i32
      %eq3A_861 = arith.cmpi eq, %add3A, %eq3A_860 : i32
      %jit3A_862 = arith.constant 999936 : i32
      %select_n3A_863 = arith.select %eq3A_861, %jit3A_862, %mul3A_859 : i32
      %multiple_of3A_864 = tpu.assume_multiple %select_n3A_863, 128 : i32
      %dma_wait3A_865 = arith.constant 0 : i32
      %dma_wait3A_866 = tpu.memref_slice %arg3[%dma_wait3A_865, %multiple_of3A_864] : memref<32x1000000xf32, #tpu.memory_space<hbm>> -> memref<32x128xf32, #tpu.memory_space<hbm>>
      %dma_wait3A_867 = arith.constant 0 : i32
      %dma_wait3A_868 = tpu.memref_slice %arg3[%dma_wait3A_867, %multiple_of3A_864] : memref<32x1000000xf32, #tpu.memory_space<hbm>> -> memref<32x128xf32, #tpu.memory_space<hbm>>
      tpu.wait_dma2 semaphore(%arg9 : memref<!tpu.dma_semaphore, #tpu.memory_space<semaphore_mem>>) src(%arg6 : memref<32x128xf32, #tpu.memory_space<vmem>>) dst(%dma_wait3A_868 : memref<32x128xf32, #tpu.memory_space<hbm>>)
    } else {
    }
    return
  }
}

</mosaic_0001>

<sc_bundles>
// kernel: kernel.3.cloned.1.call-start
scs
__scs_entry_jumppad:
0x0: {  	(pc) =	sbr.rel $0x88, $3  }
0x1: {  	(tag) =	ssettag $0x0;
	lr =	simm.s32 $0x1  }
0x2: {  	[smem:$0x3FA0] =	sst lr;
	_ =	strace $0xD0000000  }
0x3: {  	_ = 	snop  }
0x4: {  	_ = 	snop  }
0x5: {  	_ = 	snop  }
0x6: {  	_ = 	snop  }
0x7: {  	_ = 	snop  }
__scs_overlays_trampoline_lowered:
0x8: {  	[smem:$0x3FAF] =	sst s0  }
0x9: {  	[smem:$0x3FB0] =	sst s1  }
0xa: {  	[smem:$0x3FB1] =	sst s2  }
0xb: {  	[smem:$0x3FB2] =	sst s3  }
0xc: {  	[smem:$0x3FB3] =	sst s4  }
0xd: {  	[smem:$0x3FB4] =	sst s5  }
0xe: {  	[smem:$0x3FB5] =	sst s6  }
0xf: {  	[smem:$0x3FB6] =	sst s7  }
0x10: {  	[smem:$0x3FB7] =	sst s8  }
0x11: {  	[smem:$0x3FB8] =	sst s9;
	s0 =	simm.s32 @!p0 $0x0  }
0x12: {  	s1 =	sld [smem:$0x3F9E];
	s0 =	simm.s32 @p0 $0x1  }
0x13: {  	[smem:$0x3FB9] =	sst s0;
	s0 =	simm.s32 @!p1 $0x0  }
0x14: {  	s2 =	sld [smem:$0x3F9D];
	s0 =	simm.s32 @p1 $0x1  }
0x15: {  	[smem:$0x3FBA] =	sst s0;
	s0 =	simm.s32 @!p2 $0x0  }
0x16: {  	s3 =	sld [smem:$0x3FDB];
	s0 =	simm.s32 @p2 $0x1  }
0x17: {  	s4 =	simm.s32 $0x1BF5;
	[smem:$0x3FBC] =	sst s0  }
0x18: {  	s0 =	sld [smem:$0x3F9F];
	_ =	swait.ge [sflag:s4], $0x0  }
0x19: {  	s7 =	sld [smem:$0x3FA0]  }
0x1a: {  	s8 =	sadd.s32 $0xFFFFE003, lr  }
0x1b: {  	s9 =	sadd.s32 $0xFFFFFEF7, lr;
	s5 =	simm.s32 $0xFFFFFFFF;
	p2 =	slt.u32 s8, $0xFFFFF086  }
0x1c: {  	p1 =	slt.u32 s9, $0xF7A;
	s5 =	simm.s32 @!p2 $0x0  }
0x1d: {  	s5 =	simm.s32 @p1 $0x1;
	p0 =	seq.s32 s7, s2  }
0x1e: {  	s7 =	smul.u32 @!p0 $0xF7A, s2;
	p2 =	seq.s32 @!p0 s5, $0x0  }
0x1f: {  	s9 =	smul.u32 $0xF7A, s1;
	s8 =	simm.s32 @!p0 $0x1BF5;
	p2 =	por !p2, p0  }
0x20: {  	[sflag:s8] =	ssyncset.s32 @!p0 $0xFFFFF086;
	s6 =	sadd.s32 @!p0 s3, s7;
	s7 =	simm.s32 @!p0 $0x108  }
0x21: {  	s3 =	sadd.s32 s3, s9;
	s6 =	sadd.s32 @!p0 $0x88, s6;
	s7 =	simm.s32 @p2 $0x1082  }
0x22: {  	[simem:s7], [sflag:s8] =	dma.local @!p0 [hbm:s6], $0xF7A  }
0x23: {  	s9 =	sor.u32 $0xD0000000, s2;
	s6 =	simm.s32 $0x108;
	_ =	swait.ge @!p0 [sflag:s8], $0x0  }
0x24: {  	s3 =	sadd.s32 $0x88, s3;
	s6 =	simm.s32 @!p1 $0x1082;
	[sflag:s4] =	ssyncset.s32 $0xFFFFF086  }
0x25: {  	[simem:s6], [sflag:s4] =	dma.local [hbm:s3], $0xF7A  }
0x26: {  	[smem:$0x3FA0] =	sst s1;
	(tag) =	ssettag s2;
	_ =	strace s9  }
0x27: {  	s1 =	sld [smem:$0x3FB0]  }
0x28: {  	s2 =	sld [smem:$0x3FB1]  }
0x29: {  	s4 =	sld [smem:$0x3FB3]  }
0x2a: {  	p0 =	seq.s32 s5, $0x0;
	s5 =	sld [smem:$0x3FB4]  }
0x2b: {  	s6 =	sld [smem:$0x3FB5]  }
0x2c: {  	s7 =	sld [smem:$0x3FB6]  }
0x2d: {  	s3 =	simm.s32 $0x108;
	s8 =	sld [smem:$0x3FB7]  }
0x2e: {  	s3 =	simm.s32 @!p0 $0x1082;
	s9 =	sld [smem:$0x3FB8]  }
0x2f: {  	lr =	sadd.s32 s0, s3;
	s0 =	sld [smem:$0x3FAF]  }
0x30: {  	s3 =	sld [smem:$0x3FB2]  }
0x31: {  	[smem:$0x3FBB] =	sst s10  }
0x32: {  	s10 =	sld [smem:$0x3FB9];
	_ =	sdelay $0x3  }
0x33: {  	p0 =	seq.s32 s10, $0x1;
	s10 =	sld [smem:$0x3FBB];
	_ =	sdelay $0x3  }
0x34: {  	[smem:$0x3FBB] =	sst s10  }
0x35: {  	s10 =	sld [smem:$0x3FBA];
	_ =	sdelay $0x3  }
0x36: {  	p1 =	seq.s32 s10, $0x1;
	s10 =	sld [smem:$0x3FBB];
	_ =	sdelay $0x3  }
0x37: {  	[smem:$0x3FBB] =	sst s10  }
0x38: {  	s10 =	sld [smem:$0x3FBC]  }
0x39: {  	_ = 	snop;
	(pc) =	sbr.ind lr, $3  }
0x3a: {  	_ = 	snop  }
0x3b: {  	_ = 	snop  }
0x3c: {  	p2 =	seq.s32 s10, $0x1;
	s10 =	sld [smem:$0x3FBB]  }
0x3d: {  	_ =	shalt  }
0x3e: {  	_ =	shalt  }
0x3f: {  	_ =	shalt  }
0x40: {  	_ =	shalt  }
0x41: {  	_ =	shalt  }
0x42: {  	_ =	shalt  }
0x43: {  	_ =	shalt  }
0x44: {  	_ =	shalt  }
0x45: {  	_ =	shalt  }
0x46: {  	_ =	shalt  }
0x47: {  	_ =	shalt  }
0x48: {  	_ =	shalt  }
0x49: {  	_ =	shalt  }
0x4a: {  	_ =	shalt  }
0x4b: {  	_ =	shalt  }
0x4c: {  	_ =	shalt  }
0x4d: {  	_ =	shalt  }
0x4e: {  	_ =	shalt  }
0x4f: {  	_ =	shalt  }
0x50: {  	_ =	shalt  }
0x51: {  	_ =	shalt  }
0x52: {  	_ =	shalt  }
0x53: {  	_ =	shalt  }
0x54: {  	_ =	shalt  }
0x55: {  	_ =	shalt  }
0x56: {  	_ =	shalt  }
0x57: {  	_ =	shalt  }
0x58: {  	_ =	shalt  }
0x59: {  	_ =	shalt  }
0x5a: {  	_ =	shalt  }
0x5b: {  	_ =	shalt  }
0x5c: {  	_ =	shalt  }
0x5d: {  	_ =	shalt  }
0x5e: {  	_ =	shalt  }
0x5f: {  	_ =	shalt  }
0x60: {  	_ =	shalt  }
0x61: {  	_ =	shalt  }
0x62: {  	_ =	shalt  }
0x63: {  	_ =	shalt  }
0x64: {  	_ =	shalt  }
0x65: {  	_ =	shalt  }
0x66: {  	_ =	shalt  }
0x67: {  	_ =	shalt  }
0x68: {  	_ =	shalt  }
0x69: {  	_ =	shalt  }
0x6a: {  	_ =	shalt  }
0x6b: {  	_ =	shalt  }
0x6c: {  	_ =	shalt  }
0x6d: {  	_ =	shalt  }
0x6e: {  	_ =	shalt  }
0x6f: {  	_ =	shalt  }
0x70: {  	_ =	shalt  }
0x71: {  	_ =	shalt  }
0x72: {  	_ =	shalt  }
0x73: {  	_ =	shalt  }
0x74: {  	_ =	shalt  }
0x75: {  	_ =	shalt  }
0x76: {  	_ =	shalt  }
0x77: {  	_ =	shalt  }
0x78: {  	_ =	shalt  }
0x79: {  	_ =	shalt  }
0x7a: {  	_ =	shalt  }
0x7b: {  	_ =	shalt  }
0x7c: {  	_ =	shalt  }
0x7d: {  	_ =	shalt  }
0x7e: {  	_ =	shalt  }
0x7f: {  	_ =	shalt  }
0x80: {  	_ =	shalt  }
0x81: {  	_ =	shalt  }
0x82: {  	_ =	shalt  }
0x83: {  	_ =	shalt  }
0x84: {  	_ =	shalt  }
0x85: {  	_ =	shalt  }
0x86: {  	_ =	shalt  }
0x87: {  	_ =	shalt  }
.Lfunc_end0:
.L_simem_size_0:
called_computation_lowered:
.L_overlay_start_0:
0x88: {  	s2 =	sld [smem:$0x3FD9]  }
0x89: {  	s3 =	sld [smem:$0x3FFE];
	_ =	sdelay $0x1  }
0x8a: {  	s1 =	srdreg.scid  }
0x8b: {  	s0 =	sand.u32 $0x1, s1  }
0x8c: {  	s18 =	sshll.u32 s0, $0xA;
	s2 =	sadd.s32 s3, s2  }
0x8d: {  	s2 =	sadd.s32 s2, s18  }
0x8e: {  	[smem:$0x3FC7] =	sst s2  }
0x8f: {  	_ = 	snop  }
0x90: {  	s2 =	sld [smem:$0x3FC9]  }
0x91: {  	s19 =	sld [smem:$0x3FD0];
	(tm) =	ssettm $0x1  }
0x92: {  	s4 =	sld [smem:$0x3FFB];
	_ =	sdelay $0x3  }
0x93: {  	_ =	strace s4  }
0x94: {  	s4 =	sld [smem:$0x3FFC];
	_ =	sdelay $0x3  }
0x95: {  	_ =	strace s4  }
0x96: {  	s4 =	sld [smem:$0x3FFD];
	_ =	sdelay $0x3  }
0x97: {  	_ =	strace s4  }
0x98: {  	_ =	strace $0x8FFFFFFF  }
0x99: {  	s20 =	sld [smem:$0x3FDB];
	_ =	sdelay $0x1  }
0x9a: {  	s5 =	simm.s32 $_scs_section_size  }
0x9b: {  	s6 =	simm.s32 $_size__tile_overlayer_lowered;
	s7 =	simm.s32 $_tile_overlayer_lowered  }
0x9c: {  	s23 =	simm.s32 $0x1BFF;
	s22 =	sshll.u32 s7, $0x1;
	s4 =	sadd.s32 s5, s20  }
0x9d: {  	s8 =	simm.s32 $0x0;
	s21 =	sshll.u32 s6, $0x1;
	s6 =	sadd.s32 s22, s4  }
0x9e: {  	[timem:s8], [sflag:s23] =	dma.local [hbm:s6], s21  }
0x9f: {  	_ =	swait.ge [sflag:s23], s21  }
0xa0: {  	s5 =	ssub.s32 $0x0, s21;
	[sflag:s23] =	ssyncset.done $0x0  }
0xa1: {  	[sflag:s23] =	ssyncadd.s32 s5;
	_ =	sdelay $0x1  }
0xa2: {  	s24 =	simm.s32 $0x1B8B  }
0xa3: {  	_ =	swait.ge [sflag:s24], $0x1  }
0xa4: {  	[sflag:s24] =	ssyncset.done $0x0  }
0xa5: {  	s25 =	simm.s32 $0x1B8E;
	[sflag:s24] =	ssyncadd.s32 $0xFFFFFFFF  }
0xa6: {  	s26 =	simm.s32 $execute0_lowered;
	[smem:$0x3FD2] =	sst s25  }
0xa7: {  	s5 =	sshll.u32 s26, $0x1;
	_ =	strace $0x80000046;
	[dreg:$0x1] =	wrdreg $0xFFFFFFFF  }
0xa8: {  	s28 =	simm.s32 $_size_execute0_lowered;
	s4 =	sadd.s32 s4, s5;
	[dreg:$0x0] =	wrdreg $0x0  }
0xa9: {  	s5 =	sshll.u32 s28, $0x1;
	[dreg:$0x2] =	wrdreg s4  }
0xaa: {  	[dreg:$0x3] =	wrdreg s5  }
0xab: {  	[dreg:$0x4] =	wrdreg $0xC0  }
0xac: {  	_ =	task [dreg:s8], $0x5FFFF  }
0xad: {  	[dreg:$0x1] =	wrdreg $0xFFFFFFFF  }
0xae: {  	[dreg:$0x0] =	wrdreg $0x60  }
0xaf: {  	[dreg:$0x2] =	wrdreg s2  }
0xb0: {  	[dreg:$0x3] =	wrdreg s19  }
0xb1: {  	[dreg:$0x4] =	wrdreg $0x0  }
0xb2: {  	[dreg:$0x5] =	wrdreg $0xF0000  }
0xb3: {  	[dreg:$0x6] =	wrdreg $0x9  }
0xb4: {  	_ =	task.clear_ibuf [dreg:s8], $0x7FFFF;
	_ =	strace $0x90000046  }
0xb5: {  	s29 =	simm.s32 $0x9;
	_ =	strace $0x80000048  }
0xb6: {  	_ =	swait.ge [sflag:s29], $0x1  }
0xb7: {  	[sflag:s29] =	ssyncadd.s32 $0xFFFFFFFF  }
0xb8: {  	_ =	strace $0x90000048  }
0xb9: {  	_ =	sfence  }
0xba: {  	s30 =	sld [smem:$0x0];
	_ =	sdelay $0x2  }
0xbb: {  	s31 =	sshll.u32 s1, $0xD;
	s1 =	sshrl.u32 s1, $0x2  }
0xbc: {  	s3 =	sand.u32 $0x4000, s31;
	s1 =	sadd.s32 s1, s30  }
0xbd: {  	s0 =	sor.u32 s3, s0;
	s1 =	sshll.u32 s1, $0x11  }
0xbe: {  	s0 =	sor.u32 s1, s0  }
0xbf: {  	s0 =	sadd.s32 $0x8F2B, s0  }
0xc0: {  	[sflag:s0] =	ssyncadd.remote.s32 $0x1  }
0xc1: {  	_ =	sfence.sel $0xFFFF  }
0xc2: {  	[dreg:$0x0] =	wrdreg $0xFFFFFFFF;
	(pc) =	sbr.abs _section_cstart, $3  }
0xc3: {  	[dreg:$0x1] =	wrdreg $0xFFFFFFFF  }
0xc4: {  	_ =	task.clear_ibuf [dreg:s8], $0x2FFFF;
	_ =	strace $0x9FFFFFFF  }
0xc5: {  	(tm) =	ssettm $0x7FFFFFFF  }
tec
execute0_lowered:
.L_overlay_start_1:
0x0: {  	(tag) =	ssettag $0x1  }
0x1: {  	s0 =	srdreg.scid  }
0x2: {  	s3 =	rddreg [dreg:$0x0];
	s9 =	sand.u32 $0x1, s0  }
0x3: {  	s2 =	rddreg [dreg:$0x1];
	s0 =	stileid.u32;
	s4 =	sshll.u32 s9, $0x4  }
0x4: {  	s8 =	rddreg [dreg:$0x2];
	s5 =	sor.u32 s0, s4  }
0x5: {  	s6 =	simm.s32 $0x0;
	s4 =	sshll.u32 s0, $0x7;
	s10 =	smul.u32 $0x3D000, s5  }
0x6: {  	[smem:$0x7FF] =	sst s6;
	s20 =	sadd.s32 s4, s3;
	s11 =	smul.u32 $0x7A00, s5  }
0x7: {  	s7 =	rddreg [dreg:$0x3];
	_ =	strace $0x80000047;
	s12 =	sadd.s32 $0xF4000, s20  }
0x8: {  	s6 =	sshrl.u32 s10, $0x3;
	[dreg:$0x5] =	wrdreg s12;
	s21 =	sadd.s32 s3, s11  }
0x9: {  	s24 =	sadd.s32 s2, s11;
	s22 =	sadd.s32 $0x780, s6;
	[dreg:$0x6] =	wrdreg s21  }
0xa: {  	s25 =	sadd.s32 $0xF00, s6;
	[dreg:$0x8] =	wrdreg s24;
	s23 =	sadd.s32 s3, s22  }
0xb: {  	s26 =	sadd.s32 s3, s25;
	[dreg:$0x7] =	wrdreg s23  }
0xc: {  	s29 =	sadd.s32 $0x1680, s6;
	s28 =	sadd.s32 s2, s22;
	[dreg:$0x9] =	wrdreg s26  }
0xd: {  	p1 =	por $0x0, $0x0;
	s1 =	sadd.s32 s3, s29;
	[dreg:$0xa] =	wrdreg s28  }
0xe: {  	s13 =	sadd.s32 $0x1E00, s6;
	s11 =	sadd.s32 s2, s25;
	[dreg:$0xb] =	wrdreg s1  }
0xf: {  	s9 =	ssub.s32 $0x2, s9;
	s14 =	sadd.s32 s3, s13;
	[dreg:$0xc] =	wrdreg s11  }
0x10: {  	s16 =	sadd.s32 $0x2580, s6;
	s15 =	sadd.s32 s2, s29;
	[dreg:$0xd] =	wrdreg s14  }
0x11: {  	p0 =	sgt.u32 s5, $0x4;
	s17 =	sadd.s32 s3, s16;
	[dreg:$0xe] =	wrdreg s15  }
0x12: {  	s19 =	sadd.s32 $0x2D00, s6;
	s18 =	sadd.s32 s2, s13;
	[dreg:$0xf] =	wrdreg s17  }
0x13: {  	s20 =	sadd.s32 s3, s19;
	s21 =	sadd.s32 s2, s16;
	[dreg:$0x10] =	wrdreg s18  }
0x14: {  	s22 =	sadd.s32 $0x3480, s6;
	s24 =	sadd.s32 s2, s19;
	[dreg:$0x11] =	wrdreg s20  }
0x15: {  	s25 =	sadd.s32 $0x3C00, s6;
	s13 =	sshrl.u32 s9, $0x1;
	[dreg:$0x12] =	wrdreg s21  }
0x16: {  	s29 =	sadd.s32 $0x4380, s6;
	s23 =	sadd.s32 s3, s22;
	[dreg:$0x14] =	wrdreg s24  }
0x17: {  	s26 =	sadd.s32 s3, s25;
	s28 =	sadd.s32 s2, s22;
	s9 =	ssub.s32 s9, s13  }
0x18: {  	s1 =	sadd.s32 s3, s29;
	s11 =	sadd.s32 s2, s25;
	[dreg:$0x13] =	wrdreg s23  }
0x19: {  	s13 =	sadd.s32 $0x4B00, s6;
	s14 =	smul.u32 $0xF000, s0;
	[dreg:$0x15] =	wrdreg s26  }
0x1a: {  	s16 =	sadd.s32 s2, s29;
	s17 =	sadd.s32 $0x5280, s6;
	[dreg:$0x16] =	wrdreg s28  }
0x1b: {  	s20 =	sadd.s32 $0x5A00, s6;
	s24 =	sadd.s32 $0x6180, s6;
	[dreg:$0x17] =	wrdreg s1  }
0x1c: {  	s25 =	sadd.s32 $0x6900, s6;
	[dreg:$0x18] =	wrdreg s11;
	s15 =	sadd.s32 s3, s13  }
0x1d: {  	[dreg:$0x1a] =	wrdreg s16;
	s18 =	sadd.s32 s3, s17;
	s19 =	sadd.s32 s2, s13  }
0x1e: {  	s22 =	sadd.s32 s3, s20;
	s23 =	sadd.s32 s2, s17;
	s21 =	sadd.s32 s3, s24  }
0x1f: {  	s20 =	sadd.s32 s2, s20;
	s17 =	sadd.s32 s3, s25;
	s26 =	sadd.s32 $0x7080, s6  }
0x20: {  	s16 =	sadd.s32 s2, s24;
	s28 =	sadd.s32 $0x7800, s6;
	s10 =	sadd.s32 s2, s25  }
0x21: {  	s29 =	smax.u32 s9, $0x1;
	s11 =	simm.s32 $0x78;
	[dreg:$0x19] =	wrdreg s15  }
0x22: {  	s9 =	simm.s32 $0xF4280;
	s13 =	simm.s32 $0x1;
	[dreg:$0x1b] =	wrdreg s18  }
0x23: {  	s8 =	sadd.s32 s14, s8;
	[dreg:$0x1c] =	wrdreg s19;
	s31 =	sadd.s32 $0xFFFFFFFF, s29  }
0x24: {  	s7 =	sadd.s32 s14, s7;
	[dreg:$0x1d] =	wrdreg s22;
	p2 =	sne.s32 s31, $0x0  }
.Ltmp0:
0x25: {  	[dreg:$0x1e] =	wrdreg s23;
	s12 =	sadd.s32 s3, s26;
	(pc) =	sbr.rel @!p2 .LBB2_3-.Ltmp0, $4  }
0x26: {  	s6 =	sadd.s32 s3, s28;
	s14 =	sadd.s32 s4, s2;
	s4 =	sadd.s32 s2, s26  }
0x27: {  	s3 =	sadd.s32 s2, s28;
	s19 =	simm.s32 $0x2;
	s18 =	simm.s32 $0x20  }
0x28: {  	s2 =	sadd.s32 $0xF4000, s14;
	s5 =	sshrl.u32 s8, $0x3;
	s8 =	simm.s32 $0x780  }
0x29: {  	s15 =	sshrl.u32 s7, $0x3;
	s7 =	simm.s32 $0x3;
	s14 =	simm.s32 $0x4  }
0x2a: {  	s26 =	rddreg [dreg:$0x5]  }
0x2b: {  	s22 =	simm.s32 @!p0 $0x400;
	s29 =	sshll.u32 s0, $0x6;
	s28 =	rddreg [dreg:$0x6]  }
0x2c: {  	s23 =	simm.s32 @!p0 $0x7A1400;
	s24 =	simm.s32 @!p0 $0x1E000;
	s25 =	sor.u32 $0x1C01, s29  }
0x2d: {  	[tilespmem:s24], [sflag:$0x5] =	stream.strided.gather @!p0 [hbm4b:s26+s22], $0x1000, s23, s22, $0x38;
	[tilespmem:$0x1F000] =	vst v63  }
0x2e: {  	[spmem:s5@s8], [sflag:s25] =	dma.strided [hbm:s28@s9], $0x1E00, s11, $0x10   }
0x2f: {  	s26 =	sor.u32 $0x1C02, s29;
	s28 =	rddreg [dreg:$0x7]  }
0x30: {  	[spmem:s15@s8], [sflag:s26] =	dma.strided [hbm:s28@s9], $0x1E00, s11, $0x10   }
0x31: {  	_ =	swait.ge [sflag:s13], $0x1E00  }
0x32: {  	[sflag:s13] =	ssyncset.done $0x0  }
0x33: {  	s28 =	sor.u32 $0x1C03, s29;
	s30 =	rddreg [dreg:$0x8];
	[sflag:s13] =	ssyncadd.s32 $0xFFFFE200  }
0x34: {  	[hbm:s30@s9], [sflag:s28] =	dma.strided [spmem:s5@s8], $0x1E00, s11, $0x10   }
0x35: {  	_ =	swait.ge [sflag:s7], $0x1E00  }
0x36: {  	[sflag:s7] =	ssyncset.done $0x0  }
0x37: {  	s30 =	rddreg [dreg:$0x9];
	[sflag:s7] =	ssyncadd.s32 $0xFFFFE200  }
0x38: {  	[spmem:s5@s8], [sflag:s25] =	dma.strided [hbm:s30@s9], $0x1E00, s11, $0x10   }
0x39: {  	_ =	swait.ge [sflag:s19], $0x1E00  }
0x3a: {  	[sflag:s19] =	ssyncset.done $0x0  }
0x3b: {  	s29 =	sor.u32 $0x1C04, s29;
	s30 =	rddreg [dreg:$0xa];
	[sflag:s19] =	ssyncadd.s32 $0xFFFFE200  }
0x3c: {  	[hbm:s30@s9], [sflag:s29] =	dma.strided [spmem:s15@s8], $0x1E00, s11, $0x10   }
0x3d: {  	_ =	swait.ge [sflag:s14], $0x1E00  }
0x3e: {  	[sflag:s14] =	ssyncset.done $0x0  }
0x3f: {  	s30 =	rddreg [dreg:$0xb];
	[sflag:s14] =	ssyncadd.s32 $0xFFFFE200  }
0x40: {  	[spmem:s15@s8], [sflag:s26] =	dma.strided [hbm:s30@s9], $0x1E00, s11, $0x10   }
0x41: {  	_ =	swait.ge [sflag:s13], $0x1E00  }
0x42: {  	[sflag:s13] =	ssyncset.done $0x0  }
0x43: {  	s30 =	rddreg [dreg:$0xc];
	[sflag:s13] =	ssyncadd.s32 $0xFFFFE200  }
0x44: {  	[hbm:s30@s9], [sflag:s28] =	dma.strided [spmem:s5@s8], $0x1E00, s11, $0x10   }
0x45: {  	_ =	swait.ge [sflag:s7], $0x1E00  }
0x46: {  	[sflag:s7] =	ssyncset.done $0x0  }
0x47: {  	s30 =	rddreg [dreg:$0xd];
	[sflag:s7] =	ssyncadd.s32 $0xFFFFE200  }
0x48: {  	[spmem:s5@s8], [sflag:s25] =	dma.strided [hbm:s30@s9], $0x1E00, s11, $0x10   }
0x49: {  	_ =	swait.ge [sflag:s19], $0x1E00  }
0x4a: {  	[sflag:s19] =	ssyncset.done $0x0  }
0x4b: {  	s30 =	rddreg [dreg:$0xe];
	[sflag:s19] =	ssyncadd.s32 $0xFFFFE200  }
0x4c: {  	[hbm:s30@s9], [sflag:s29] =	dma.strided [spmem:s15@s8], $0x1E00, s11, $0x10   }
0x4d: {  	_ =	swait.ge [sflag:s14], $0x1E00  }
0x4e: {  	[sflag:s14] =	ssyncset.done $0x0  }
0x4f: {  	s30 =	rddreg [dreg:$0xf];
	[sflag:s14] =	ssyncadd.s32 $0xFFFFE200  }
0x50: {  	[spmem:s15@s8], [sflag:s26] =	dma.strided [hbm:s30@s9], $0x1E00, s11, $0x10   }
0x51: {  	_ =	swait.ge [sflag:s13], $0x1E00  }
0x52: {  	[sflag:s13] =	ssyncset.done $0x0  }
0x53: {  	s30 =	rddreg [dreg:$0x10];
	[sflag:s13] =	ssyncadd.s32 $0xFFFFE200  }
0x54: {  	[hbm:s30@s9], [sflag:s28] =	dma.strided [spmem:s5@s8], $0x1E00, s11, $0x10   }
0x55: {  	_ =	swait.ge [sflag:s7], $0x1E00  }
0x56: {  	[sflag:s7] =	ssyncset.done $0x0  }
0x57: {  	s30 =	rddreg [dreg:$0x11];
	[sflag:s7] =	ssyncadd.s32 $0xFFFFE200  }
0x58: {  	[spmem:s5@s8], [sflag:s25] =	dma.strided [hbm:s30@s9], $0x1E00, s11, $0x10   }
0x59: {  	_ =	swait.ge [sflag:s19], $0x1E00  }
0x5a: {  	[sflag:s19] =	ssyncset.done $0x0  }
0x5b: {  	s30 =	rddreg [dreg:$0x12];
	[sflag:s19] =	ssyncadd.s32 $0xFFFFE200  }
0x5c: {  	[hbm:s30@s9], [sflag:s29] =	dma.strided [spmem:s15@s8], $0x1E00, s11, $0x10   }
0x5d: {  	_ =	swait.ge [sflag:s14], $0x1E00  }
0x5e: {  	[sflag:s14] =	ssyncset.done $0x0  }
0x5f: {  	s30 =	rddreg [dreg:$0x13];
	[sflag:s14] =	ssyncadd.s32 $0xFFFFE200  }
0x60: {  	[spmem:s15@s8], [sflag:s26] =	dma.strided [hbm:s30@s9], $0x1E00, s11, $0x10   }
0x61: {  	_ =	swait.ge [sflag:s13], $0x1E00  }
0x62: {  	[sflag:s13] =	ssyncset.done $0x0  }
0x63: {  	s30 =	rddreg [dreg:$0x14];
	[sflag:s13] =	ssyncadd.s32 $0xFFFFE200  }
0x64: {  	[hbm:s30@s9], [sflag:s28] =	dma.strided [spmem:s5@s8], $0x1E00, s11, $0x10   }
0x65: {  	_ =	swait.ge [sflag:s7], $0x1E00  }
0x66: {  	[sflag:s7] =	ssyncset.done $0x0  }
0x67: {  	s30 =	rddreg [dreg:$0x15];
	[sflag:s7] =	ssyncadd.s32 $0xFFFFE200  }
0x68: {  	[spmem:s5@s8], [sflag:s25] =	dma.strided [hbm:s30@s9], $0x1E00, s11, $0x10   }
0x69: {  	_ =	swait.ge [sflag:s19], $0x1E00  }
0x6a: {  	[sflag:s19] =	ssyncset.done $0x0  }
0x6b: {  	s30 =	rddreg [dreg:$0x16];
	[sflag:s19] =	ssyncadd.s32 $0xFFFFE200  }
0x6c: {  	[hbm:s30@s9], [sflag:s29] =	dma.strided [spmem:s15@s8], $0x1E00, s11, $0x10   }
0x6d: {  	_ =	swait.ge [sflag:s14], $0x1E00  }
0x6e: {  	[sflag:s14] =	ssyncset.done $0x0  }
0x6f: {  	s30 =	rddreg [dreg:$0x17];
	[sflag:s14] =	ssyncadd.s32 $0xFFFFE200  }
0x70: {  	[spmem:s15@s8], [sflag:s26] =	dma.strided [hbm:s30@s9], $0x1E00, s11, $0x10   }
0x71: {  	_ =	swait.ge [sflag:s13], $0x1E00  }
0x72: {  	[sflag:s13] =	ssyncset.done $0x0  }
0x73: {  	s30 =	rddreg [dreg:$0x18];
	[sflag:s13] =	ssyncadd.s32 $0xFFFFE200  }
0x74: {  	[hbm:s30@s9], [sflag:s28] =	dma.strided [spmem:s5@s8], $0x1E00, s11, $0x10   }
0x75: {  	_ =	swait.ge [sflag:s7], $0x1E00  }
0x76: {  	[sflag:s7] =	ssyncset.done $0x0  }
0x77: {  	s30 =	rddreg [dreg:$0x19];
	[sflag:s7] =	ssyncadd.s32 $0xFFFFE200  }
0x78: {  	[spmem:s5@s8], [sflag:s25] =	dma.strided [hbm:s30@s9], $0x1E00, s11, $0x10   }
0x79: {  	_ =	swait.ge [sflag:s19], $0x1E00  }
0x7a: {  	[sflag:s19] =	ssyncset.done $0x0  }
0x7b: {  	s30 =	rddreg [dreg:$0x1a];
	[sflag:s19] =	ssyncadd.s32 $0xFFFFE200  }
0x7c: {  	[hbm:s30@s9], [sflag:s29] =	dma.strided [spmem:s15@s8], $0x1E00, s11, $0x10   }
0x7d: {  	_ =	swait.ge [sflag:s14], $0x1E00  }
0x7e: {  	[sflag:s14] =	ssyncset.done $0x0  }
0x7f: {  	s30 =	rddreg [dreg:$0x1b];
	[sflag:s14] =	ssyncadd.s32 $0xFFFFE200  }
0x80: {  	[spmem:s15@s8], [sflag:s26] =	dma.strided [hbm:s30@s9], $0x1E00, s11, $0x10   }
0x81: {  	_ =	swait.ge [sflag:s13], $0x1E00  }
0x82: {  	[sflag:s13] =	ssyncset.done $0x0  }
0x83: {  	s30 =	rddreg [dreg:$0x1c];
	[sflag:s13] =	ssyncadd.s32 $0xFFFFE200  }
0x84: {  	[hbm:s30@s9], [sflag:s28] =	dma.strided [spmem:s5@s8], $0x1E00, s11, $0x10   }
0x85: {  	_ =	swait.ge [sflag:s7], $0x1E00  }
0x86: {  	[sflag:s7] =	ssyncset.done $0x0  }
0x87: {  	s30 =	rddreg [dreg:$0x1d];
	[sflag:s7] =	ssyncadd.s32 $0xFFFFE200  }
0x88: {  	[spmem:s5@s8], [sflag:s25] =	dma.strided [hbm:s30@s9], $0x1E00, s11, $0x10   }
0x89: {  	_ =	swait.ge [sflag:s19], $0x1E00  }
0x8a: {  	[sflag:s19] =	ssyncset.done $0x0  }
0x8b: {  	s30 =	rddreg [dreg:$0x1e];
	[sflag:s19] =	ssyncadd.s32 $0xFFFFE200  }
0x8c: {  	[hbm:s30@s9], [sflag:s29] =	dma.strided [spmem:s15@s8], $0x1E00, s11, $0x10   }
0x8d: {  	_ =	swait.ge [sflag:s14], $0x1E00  }
0x8e: {  	[sflag:s14] =	ssyncset.done $0x0  }
0x8f: {  	[sflag:s14] =	ssyncadd.s32 $0xFFFFE200  }
0x90: {  	[spmem:s15@s8], [sflag:s26] =	dma.strided [hbm:s21@s9], $0x1E00, s11, $0x10   }
0x91: {  	_ =	swait.ge [sflag:s13], $0x1E00  }
0x92: {  	[sflag:s13] =	ssyncset.done $0x0  }
0x93: {  	[sflag:s13] =	ssyncadd.s32 $0xFFFFE200  }
0x94: {  	[hbm:s20@s9], [sflag:s28] =	dma.strided [spmem:s5@s8], $0x1E00, s11, $0x10   }
0x95: {  	_ =	swait.ge [sflag:s7], $0x1E00  }
0x96: {  	[sflag:s7] =	ssyncset.done $0x0  }
0x97: {  	[sflag:s7] =	ssyncadd.s32 $0xFFFFE200  }
0x98: {  	[spmem:s5@s8], [sflag:s25] =	dma.strided [hbm:s17@s9], $0x1E00, s11, $0x10   }
0x99: {  	_ =	swait.ge [sflag:s19], $0x1E00  }
0x9a: {  	[sflag:s19] =	ssyncset.done $0x0  }
0x9b: {  	[sflag:s19] =	ssyncadd.s32 $0xFFFFE200  }
0x9c: {  	[hbm:s16@s9], [sflag:s29] =	dma.strided [spmem:s15@s8], $0x1E00, s11, $0x10   }
0x9d: {  	_ =	swait.ge [sflag:s14], $0x1E00  }
0x9e: {  	[sflag:s14] =	ssyncset.done $0x0  }
0x9f: {  	[sflag:s14] =	ssyncadd.s32 $0xFFFFE200  }
0xa0: {  	[spmem:s15@s8], [sflag:s26] =	dma.strided [hbm:s12@s9], $0x1E00, s11, $0x10   }
0xa1: {  	_ =	swait.ge [sflag:s13], $0x1E00  }
0xa2: {  	[sflag:s13] =	ssyncset.done $0x0  }
0xa3: {  	[sflag:s13] =	ssyncadd.s32 $0xFFFFE200  }
0xa4: {  	[hbm:s10@s9], [sflag:s28] =	dma.strided [spmem:s5@s8], $0x1E00, s11, $0x10   }
0xa5: {  	_ =	swait.ge [sflag:s7], $0x1E00  }
0xa6: {  	[sflag:s7] =	ssyncset.done $0x0  }
0xa7: {  	[sflag:s7] =	ssyncadd.s32 $0xFFFFE200  }
0xa8: {  	[spmem:s5@s8], [sflag:s25] =	dma.strided [hbm:s6@s9], $0x800, s18, $0x10   }
0xa9: {  	_ =	swait.ge [sflag:s19], $0x1E00  }
0xaa: {  	[sflag:s19] =	ssyncset.done $0x0  }
0xab: {  	[sflag:s19] =	ssyncadd.s32 $0xFFFFE200  }
0xac: {  	[hbm:s4@s9], [sflag:s29] =	dma.strided [spmem:s15@s8], $0x1E00, s11, $0x10   }
0xad: {  	_ =	swait.ge [sflag:s13], $0x800  }
0xae: {  	[sflag:s13] =	ssyncset.done $0x0  }
0xaf: {  	[sflag:s13] =	ssyncadd.s32 $0xFFFFF800  }
0xb0: {  	[hbm:s3@s9], [sflag:s28] =	dma.strided [spmem:s5@s8], $0x800, s18, $0x10   }
0xb1: {  	_ =	swait.ge [sflag:s14], $0x1E00  }
0xb2: {  	[sflag:s14] =	ssyncset.done $0x0  }
0xb3: {  	[sflag:s14] =	ssyncadd.s32 $0xFFFFE200  }
0xb4: {  	s31 =	sadd.s32 $0xFFFFFFFF, s31;
	_ =	swait.ge [sflag:s7], $0x800  }
0xb5: {  	p2 =	sne.s32 s31, $0x0;
	[sflag:s7] =	ssyncset.done $0x0  }
.Ltmp1:
0xb6: {  	s30 =	simm.s32 @!p0 $0x5;
	[sflag:s7] =	ssyncadd.s32 $0xFFFFF800;
	(pc) =	sbr.rel @!p2 .LBB2_3-.Ltmp1, $4  }
0xb7: {  	_ =	swait.ge @!p0 [sflag:s30], $0x1000  }
0xb8: {  	[sflag:s30] =	ssyncset.done @!p0 $0x0  }
0xb9: {  	p1 =	por $0x1, $0x1;
	[sflag:s30] =	ssyncadd.s32 @!p0 $0xFFFFF000  }
0xba: {  	[hbm4b:s2+s22] =	stream.strided.scatter @!p0 [tilespmem:s24], [sflag:$0x5], $0x1000, s23, s22, $0x38;
	[tilespmem:$0x1F000] =	vst v63  }
.LBB2_2:
0xbb: {  	_ =	swait.ge @!p0 [sflag:s30], $0x1000  }
0xbc: {  	s0 =	rddreg [dreg:$0x5];
	[sflag:s30] =	ssyncset.done @!p0 $0x0  }
0xbd: {  	s1 =	rddreg [dreg:$0x6];
	[sflag:s30] =	ssyncadd.s32 @!p0 $0xFFFFF000  }
0xbe: {  	[tilespmem:s24], [sflag:$0x5] =	stream.strided.gather @!p0 [hbm4b:s0+s22], $0x1000, s23, s22, $0x38;
	[tilespmem:$0x1F000] =	vst v63  }
0xbf: {  	[spmem:s5@s8], [sflag:s25] =	dma.strided [hbm:s1@s9], $0x1E00, s11, $0x10   }
0xc0: {  	s1 =	rddreg [dreg:$0x7]  }
0xc1: {  	[spmem:s15@s8], [sflag:s26] =	dma.strided [hbm:s1@s9], $0x1E00, s11, $0x10   }
0xc2: {  	_ =	swait.ge [sflag:s13], $0x1E00  }
0xc3: {  	[sflag:s13] =	ssyncset.done $0x0  }
0xc4: {  	s1 =	rddreg [dreg:$0x8];
	[sflag:s13] =	ssyncadd.s32 $0xFFFFE200  }
0xc5: {  	[hbm:s1@s9], [sflag:s28] =	dma.strided [spmem:s5@s8], $0x1E00, s11, $0x10   }
0xc6: {  	_ =	swait.ge [sflag:s7], $0x1E00  }
0xc7: {  	[sflag:s7] =	ssyncset.done $0x0  }
0xc8: {  	s1 =	rddreg [dreg:$0x9];
	[sflag:s7] =	ssyncadd.s32 $0xFFFFE200  }
0xc9: {  	[spmem:s5@s8], [sflag:s25] =	dma.strided [hbm:s1@s9], $0x1E00, s11, $0x10   }
0xca: {  	_ =	swait.ge [sflag:s19], $0x1E00  }
0xcb: {  	[sflag:s19] =	ssyncset.done $0x0  }
0xcc: {  	s1 =	rddreg [dreg:$0xa];
	[sflag:s19] =	ssyncadd.s32 $0xFFFFE200  }
0xcd: {  	[hbm:s1@s9], [sflag:s29] =	dma.strided [spmem:s15@s8], $0x1E00, s11, $0x10   }
0xce: {  	_ =	swait.ge [sflag:s14], $0x1E00  }
0xcf: {  	[sflag:s14] =	ssyncset.done $0x0  }
0xd0: {  	s1 =	rddreg [dreg:$0xb];
	[sflag:s14] =	ssyncadd.s32 $0xFFFFE200  }
0xd1: {  	[spmem:s15@s8], [sflag:s26] =	dma.strided [hbm:s1@s9], $0x1E00, s11, $0x10   }
0xd2: {  	_ =	swait.ge [sflag:s13], $0x1E00  }
0xd3: {  	[sflag:s13] =	ssyncset.done $0x0  }
0xd4: {  	s1 =	rddreg [dreg:$0xc];
	[sflag:s13] =	ssyncadd.s32 $0xFFFFE200  }
0xd5: {  	[hbm:s1@s9], [sflag:s28] =	dma.strided [spmem:s5@s8], $0x1E00, s11, $0x10   }
0xd6: {  	_ =	swait.ge [sflag:s7], $0x1E00  }
0xd7: {  	[sflag:s7] =	ssyncset.done $0x0  }
0xd8: {  	s1 =	rddreg [dreg:$0xd];
	[sflag:s7] =	ssyncadd.s32 $0xFFFFE200  }
0xd9: {  	[spmem:s5@s8], [sflag:s25] =	dma.strided [hbm:s1@s9], $0x1E00, s11, $0x10   }
0xda: {  	_ =	swait.ge [sflag:s19], $0x1E00  }
0xdb: {  	[sflag:s19] =	ssyncset.done $0x0  }
0xdc: {  	s1 =	rddreg [dreg:$0xe];
	[sflag:s19] =	ssyncadd.s32 $0xFFFFE200  }
0xdd: {  	[hbm:s1@s9], [sflag:s29] =	dma.strided [spmem:s15@s8], $0x1E00, s11, $0x10   }
0xde: {  	_ =	swait.ge [sflag:s14], $0x1E00  }
0xdf: {  	[sflag:s14] =	ssyncset.done $0x0  }
0xe0: {  	s1 =	rddreg [dreg:$0xf];
	[sflag:s14] =	ssyncadd.s32 $0xFFFFE200  }
0xe1: {  	[spmem:s15@s8], [sflag:s26] =	dma.strided [hbm:s1@s9], $0x1E00, s11, $0x10   }
0xe2: {  	_ =	swait.ge [sflag:s13], $0x1E00  }
0xe3: {  	[sflag:s13] =	ssyncset.done $0x0  }
0xe4: {  	s1 =	rddreg [dreg:$0x10];
	[sflag:s13] =	ssyncadd.s32 $0xFFFFE200  }
0xe5: {  	[hbm:s1@s9], [sflag:s28] =	dma.strided [spmem:s5@s8], $0x1E00, s11, $0x10   }
0xe6: {  	_ =	swait.ge [sflag:s7], $0x1E00  }
0xe7: {  	[sflag:s7] =	ssyncset.done $0x0  }
0xe8: {  	s1 =	rddreg [dreg:$0x11];
	[sflag:s7] =	ssyncadd.s32 $0xFFFFE200  }
0xe9: {  	[spmem:s5@s8], [sflag:s25] =	dma.strided [hbm:s1@s9], $0x1E00, s11, $0x10   }
0xea: {  	_ =	swait.ge [sflag:s19], $0x1E00  }
0xeb: {  	[sflag:s19] =	ssyncset.done $0x0  }
0xec: {  	s1 =	rddreg [dreg:$0x12];
	[sflag:s19] =	ssyncadd.s32 $0xFFFFE200  }
0xed: {  	[hbm:s1@s9], [sflag:s29] =	dma.strided [spmem:s15@s8], $0x1E00, s11, $0x10   }
0xee: {  	_ =	swait.ge [sflag:s14], $0x1E00  }
0xef: {  	[sflag:s14] =	ssyncset.done $0x0  }
0xf0: {  	s1 =	rddreg [dreg:$0x13];
	[sflag:s14] =	ssyncadd.s32 $0xFFFFE200  }
0xf1: {  	[spmem:s15@s8], [sflag:s26] =	dma.strided [hbm:s1@s9], $0x1E00, s11, $0x10   }
0xf2: {  	_ =	swait.ge [sflag:s13], $0x1E00  }
0xf3: {  	[sflag:s13] =	ssyncset.done $0x0  }
0xf4: {  	s1 =	rddreg [dreg:$0x14];
	[sflag:s13] =	ssyncadd.s32 $0xFFFFE200  }
0xf5: {  	[hbm:s1@s9], [sflag:s28] =	dma.strided [spmem:s5@s8], $0x1E00, s11, $0x10   }
0xf6: {  	_ =	swait.ge [sflag:s7], $0x1E00  }
0xf7: {  	[sflag:s7] =	ssyncset.done $0x0  }
0xf8: {  	s1 =	rddreg [dreg:$0x15];
	[sflag:s7] =	ssyncadd.s32 $0xFFFFE200  }
0xf9: {  	[spmem:s5@s8], [sflag:s25] =	dma.strided [hbm:s1@s9], $0x1E00, s11, $0x10   }
0xfa: {  	_ =	swait.ge [sflag:s19], $0x1E00  }
0xfb: {  	[sflag:s19] =	ssyncset.done $0x0  }
0xfc: {  	s1 =	rddreg [dreg:$0x16];
	[sflag:s19] =	ssyncadd.s32 $0xFFFFE200  }
0xfd: {  	[hbm:s1@s9], [sflag:s29] =	dma.strided [spmem:s15@s8], $0x1E00, s11, $0x10   }
0xfe: {  	_ =	swait.ge [sflag:s14], $0x1E00  }
0xff: {  	[sflag:s14] =	ssyncset.done $0x0  }
0x100: {  	s1 =	rddreg [dreg:$0x17];
	[sflag:s14] =	ssyncadd.s32 $0xFFFFE200  }
0x101: {  	[spmem:s15@s8], [sflag:s26] =	dma.strided [hbm:s1@s9], $0x1E00, s11, $0x10   }
0x102: {  	_ =	swait.ge [sflag:s13], $0x1E00  }
0x103: {  	[sflag:s13] =	ssyncset.done $0x0  }
0x104: {  	s1 =	rddreg [dreg:$0x18];
	[sflag:s13] =	ssyncadd.s32 $0xFFFFE200  }
0x105: {  	[hbm:s1@s9], [sflag:s28] =	dma.strided [spmem:s5@s8], $0x1E00, s11, $0x10   }
0x106: {  	_ =	swait.ge [sflag:s7], $0x1E00  }
0x107: {  	[sflag:s7] =	ssyncset.done $0x0  }
0x108: {  	s1 =	rddreg [dreg:$0x19];
	[sflag:s7] =	ssyncadd.s32 $0xFFFFE200  }
0x109: {  	[spmem:s5@s8], [sflag:s25] =	dma.strided [hbm:s1@s9], $0x1E00, s11, $0x10   }
0x10a: {  	_ =	swait.ge [sflag:s19], $0x1E00  }
0x10b: {  	[sflag:s19] =	ssyncset.done $0x0  }
0x10c: {  	s1 =	rddreg [dreg:$0x1a];
	[sflag:s19] =	ssyncadd.s32 $0xFFFFE200  }
0x10d: {  	[hbm:s1@s9], [sflag:s29] =	dma.strided [spmem:s15@s8], $0x1E00, s11, $0x10   }
0x10e: {  	_ =	swait.ge [sflag:s14], $0x1E00  }
0x10f: {  	[sflag:s14] =	ssyncset.done $0x0  }
0x110: {  	s1 =	rddreg [dreg:$0x1b];
	[sflag:s14] =	ssyncadd.s32 $0xFFFFE200  }
0x111: {  	[spmem:s15@s8], [sflag:s26] =	dma.strided [hbm:s1@s9], $0x1E00, s11, $0x10   }
0x112: {  	_ =	swait.ge [sflag:s13], $0x1E00  }
0x113: {  	[sflag:s13] =	ssyncset.done $0x0  }
0x114: {  	s1 =	rddreg [dreg:$0x1c];
	[sflag:s13] =	ssyncadd.s32 $0xFFFFE200  }
0x115: {  	[hbm:s1@s9], [sflag:s28] =	dma.strided [spmem:s5@s8], $0x1E00, s11, $0x10   }
0x116: {  	_ =	swait.ge [sflag:s7], $0x1E00  }
0x117: {  	[sflag:s7] =	ssyncset.done $0x0  }
0x118: {  	s1 =	rddreg [dreg:$0x1d];
	[sflag:s7] =	ssyncadd.s32 $0xFFFFE200  }
0x119: {  	[spmem:s5@s8], [sflag:s25] =	dma.strided [hbm:s1@s9], $0x1E00, s11, $0x10   }
0x11a: {  	_ =	swait.ge [sflag:s19], $0x1E00  }
0x11b: {  	[sflag:s19] =	ssyncset.done $0x0  }
0x11c: {  	s1 =	rddreg [dreg:$0x1e];
	[sflag:s19] =	ssyncadd.s32 $0xFFFFE200  }
0x11d: {  	[hbm:s1@s9], [sflag:s29] =	dma.strided [spmem:s15@s8], $0x1E00, s11, $0x10   }
0x11e: {  	_ =	swait.ge [sflag:s14], $0x1E00  }
0x11f: {  	[sflag:s14] =	ssyncset.done $0x0  }
0x120: {  	[sflag:s14] =	ssyncadd.s32 $0xFFFFE200  }
0x121: {  	[spmem:s15@s8], [sflag:s26] =	dma.strided [hbm:s21@s9], $0x1E00, s11, $0x10   }
0x122: {  	_ =	swait.ge [sflag:s13], $0x1E00  }
0x123: {  	[sflag:s13] =	ssyncset.done $0x0  }
0x124: {  	[sflag:s13] =	ssyncadd.s32 $0xFFFFE200  }
0x125: {  	[hbm:s20@s9], [sflag:s28] =	dma.strided [spmem:s5@s8], $0x1E00, s11, $0x10   }
0x126: {  	_ =	swait.ge [sflag:s7], $0x1E00  }
0x127: {  	[sflag:s7] =	ssyncset.done $0x0  }
0x128: {  	[sflag:s7] =	ssyncadd.s32 $0xFFFFE200  }
0x129: {  	[spmem:s5@s8], [sflag:s25] =	dma.strided [hbm:s17@s9], $0x1E00, s11, $0x10   }
0x12a: {  	_ =	swait.ge [sflag:s19], $0x1E00  }
0x12b: {  	[sflag:s19] =	ssyncset.done $0x0  }
0x12c: {  	[sflag:s19] =	ssyncadd.s32 $0xFFFFE200  }
0x12d: {  	[hbm:s16@s9], [sflag:s29] =	dma.strided [spmem:s15@s8], $0x1E00, s11, $0x10   }
0x12e: {  	_ =	swait.ge [sflag:s14], $0x1E00  }
0x12f: {  	[sflag:s14] =	ssyncset.done $0x0  }
0x130: {  	[sflag:s14] =	ssyncadd.s32 $0xFFFFE200  }
0x131: {  	[spmem:s15@s8], [sflag:s26] =	dma.strided [hbm:s12@s9], $0x1E00, s11, $0x10   }
0x132: {  	_ =	swait.ge [sflag:s13], $0x1E00  }
0x133: {  	[sflag:s13] =	ssyncset.done $0x0  }
0x134: {  	[sflag:s13] =	ssyncadd.s32 $0xFFFFE200  }
0x135: {  	[hbm:s10@s9], [sflag:s28] =	dma.strided [spmem:s5@s8], $0x1E00, s11, $0x10   }
0x136: {  	_ =	swait.ge [sflag:s7], $0x1E00  }
0x137: {  	[sflag:s7] =	ssyncset.done $0x0  }
0x138: {  	[sflag:s7] =	ssyncadd.s32 $0xFFFFE200  }
0x139: {  	[spmem:s5@s8], [sflag:s25] =	dma.strided [hbm:s6@s9], $0x800, s18, $0x10   }
0x13a: {  	_ =	swait.ge [sflag:s19], $0x1E00  }
0x13b: {  	[sflag:s19] =	ssyncset.done $0x0  }
0x13c: {  	[sflag:s19] =	ssyncadd.s32 $0xFFFFE200  }
0x13d: {  	[hbm:s4@s9], [sflag:s29] =	dma.strided [spmem:s15@s8], $0x1E00, s11, $0x10   }
0x13e: {  	_ =	swait.ge [sflag:s13], $0x800  }
0x13f: {  	[sflag:s13] =	ssyncset.done $0x0  }
0x140: {  	[sflag:s13] =	ssyncadd.s32 $0xFFFFF800  }
0x141: {  	[hbm:s3@s9], [sflag:s28] =	dma.strided [spmem:s5@s8], $0x800, s18, $0x10   }
0x142: {  	_ =	swait.ge [sflag:s14], $0x1E00  }
0x143: {  	[sflag:s14] =	ssyncset.done $0x0  }
0x144: {  	[sflag:s14] =	ssyncadd.s32 $0xFFFFE200  }
0x145: {  	s31 =	sadd.s32 $0xFFFFFFFF, s31;
	_ =	swait.ge [sflag:s7], $0x800  }
0x146: {  	p2 =	sne.s32 s31, $0x0;
	[sflag:s7] =	ssyncset.done $0x0  }
.Ltmp2:
0x147: {  	[sflag:s7] =	ssyncadd.s32 $0xFFFFF800;
	(pc) =	sbr.rel @p2 .LBB2_2-.Ltmp2, $4  }
0x148: {  	_ =	swait.ge @!p0 [sflag:s30], $0x1000  }
0x149: {  	[sflag:s30] =	ssyncset.done @!p0 $0x0  }
0x14a: {  	[sflag:s30] =	ssyncadd.s32 @!p0 $0xFFFFF000  }
0x14b: {  	[hbm4b:s2+s22] =	stream.strided.scatter @!p0 [tilespmem:s24], [sflag:$0x5], $0x1000, s23, s22, $0x38;
	[tilespmem:$0x1F000] =	vst v63  }
.LBB2_3:
0x14c: {  	p1 =	por p0, !p1  }
0x14d: {  	s22 =	simm.s32 @!p0 $0x400;
	_ =	swait.ge @!p1 [sflag:s30], $0x1000  }
0x14e: {  	s23 =	simm.s32 @!p0 $0x7A1400;
	s24 =	simm.s32 @!p0 $0x1E000;
	[sflag:s30] =	ssyncset.done @!p1 $0x0  }
0x14f: {  	s0 =	rddreg [dreg:$0x5];
	[sflag:s30] =	ssyncadd.s32 @!p1 $0xFFFFF000;
	s30 =	stileid.u32  }
0x150: {  	[tilespmem:s24], [sflag:$0x5] =	stream.strided.gather @!p0 [hbm4b:s0+s22], $0x1000, s23, s22, $0x38;
	[tilespmem:$0x1F000] =	vst v63  }
0x151: {  	s1 =	sshll.u32 s30, $0x6  }
0x152: {  	s29 =	rddreg [dreg:$0x6];
	s25 =	sor.u32 $0x1C01, s1  }
0x153: {  	[spmem:s5@s8], [sflag:s25] =	dma.strided [hbm:s29@s9], $0x1E00, s11, $0x10   }
0x154: {  	s28 =	sor.u32 $0x1C02, s1;
	s0 =	rddreg [dreg:$0x7]  }
0x155: {  	[spmem:s15@s8], [sflag:s28] =	dma.strided [hbm:s0@s9], $0x1E00, s11, $0x10   }
0x156: {  	_ =	swait.ge [sflag:s13], $0x1E00  }
0x157: {  	[sflag:s13] =	ssyncset.done $0x0  }
0x158: {  	s26 =	sor.u32 $0x1C03, s1;
	s31 =	rddreg [dreg:$0x8];
	[sflag:s13] =	ssyncadd.s32 $0xFFFFE200  }
0x159: {  	[hbm:s31@s9], [sflag:s26] =	dma.strided [spmem:s5@s8], $0x1E00, s11, $0x10   }
0x15a: {  	_ =	swait.ge [sflag:s7], $0x1E00  }
0x15b: {  	[sflag:s7] =	ssyncset.done $0x0  }
0x15c: {  	s29 =	rddreg [dreg:$0x9];
	[sflag:s7] =	ssyncadd.s32 $0xFFFFE200  }
0x15d: {  	[spmem:s5@s8], [sflag:s25] =	dma.strided [hbm:s29@s9], $0x1E00, s11, $0x10   }
0x15e: {  	_ =	swait.ge [sflag:s19], $0x1E00  }
0x15f: {  	[sflag:s19] =	ssyncset.done $0x0  }
0x160: {  	s29 =	sor.u32 $0x1C04, s1;
	s31 =	rddreg [dreg:$0xa];
	[sflag:s19] =	ssyncadd.s32 $0xFFFFE200  }
0x161: {  	[hbm:s31@s9], [sflag:s29] =	dma.strided [spmem:s15@s8], $0x1E00, s11, $0x10   }
0x162: {  	_ =	swait.ge [sflag:s14], $0x1E00  }
0x163: {  	[sflag:s14] =	ssyncset.done $0x0  }
0x164: {  	s1 =	rddreg [dreg:$0xb];
	[sflag:s14] =	ssyncadd.s32 $0xFFFFE200  }
0x165: {  	[spmem:s15@s8], [sflag:s28] =	dma.strided [hbm:s1@s9], $0x1E00, s11, $0x10   }
0x166: {  	_ =	swait.ge [sflag:s13], $0x1E00  }
0x167: {  	[sflag:s13] =	ssyncset.done $0x0  }
0x168: {  	s31 =	rddreg [dreg:$0xc];
	[sflag:s13] =	ssyncadd.s32 $0xFFFFE200  }
0x169: {  	[hbm:s31@s9], [sflag:s26] =	dma.strided [spmem:s5@s8], $0x1E00, s11, $0x10   }
0x16a: {  	_ =	swait.ge [sflag:s7], $0x1E00  }
0x16b: {  	[sflag:s7] =	ssyncset.done $0x0  }
0x16c: {  	s1 =	rddreg [dreg:$0xd];
	[sflag:s7] =	ssyncadd.s32 $0xFFFFE200  }
0x16d: {  	[spmem:s5@s8], [sflag:s25] =	dma.strided [hbm:s1@s9], $0x1E00, s11, $0x10   }
0x16e: {  	_ =	swait.ge [sflag:s19], $0x1E00  }
0x16f: {  	[sflag:s19] =	ssyncset.done $0x0  }
0x170: {  	s31 =	rddreg [dreg:$0xe];
	[sflag:s19] =	ssyncadd.s32 $0xFFFFE200  }
0x171: {  	[hbm:s31@s9], [sflag:s29] =	dma.strided [spmem:s15@s8], $0x1E00, s11, $0x10   }
0x172: {  	_ =	swait.ge [sflag:s14], $0x1E00  }
0x173: {  	[sflag:s14] =	ssyncset.done $0x0  }
0x174: {  	s1 =	rddreg [dreg:$0xf];
	[sflag:s14] =	ssyncadd.s32 $0xFFFFE200  }
0x175: {  	[spmem:s15@s8], [sflag:s28] =	dma.strided [hbm:s1@s9], $0x1E00, s11, $0x10   }
0x176: {  	_ =	swait.ge [sflag:s13], $0x1E00  }
0x177: {  	[sflag:s13] =	ssyncset.done $0x0  }
0x178: {  	s31 =	rddreg [dreg:$0x10];
	[sflag:s13] =	ssyncadd.s32 $0xFFFFE200  }
0x179: {  	[hbm:s31@s9], [sflag:s26] =	dma.strided [spmem:s5@s8], $0x1E00, s11, $0x10   }
0x17a: {  	_ =	swait.ge [sflag:s7], $0x1E00  }
0x17b: {  	[sflag:s7] =	ssyncset.done $0x0  }
0x17c: {  	s1 =	rddreg [dreg:$0x11];
	[sflag:s7] =	ssyncadd.s32 $0xFFFFE200  }
0x17d: {  	[spmem:s5@s8], [sflag:s25] =	dma.strided [hbm:s1@s9], $0x1E00, s11, $0x10   }
0x17e: {  	_ =	swait.ge [sflag:s19], $0x1E00  }
0x17f: {  	[sflag:s19] =	ssyncset.done $0x0  }
0x180: {  	s31 =	rddreg [dreg:$0x12];
	[sflag:s19] =	ssyncadd.s32 $0xFFFFE200  }
0x181: {  	[hbm:s31@s9], [sflag:s29] =	dma.strided [spmem:s15@s8], $0x1E00, s11, $0x10   }
0x182: {  	_ =	swait.ge [sflag:s14], $0x1E00  }
0x183: {  	[sflag:s14] =	ssyncset.done $0x0  }
0x184: {  	s1 =	rddreg [dreg:$0x13];
	[sflag:s14] =	ssyncadd.s32 $0xFFFFE200  }
0x185: {  	[spmem:s15@s8], [sflag:s28] =	dma.strided [hbm:s1@s9], $0x1E00, s11, $0x10   }
0x186: {  	_ =	swait.ge [sflag:s13], $0x1E00  }
0x187: {  	[sflag:s13] =	ssyncset.done $0x0  }
0x188: {  	s31 =	rddreg [dreg:$0x14];
	[sflag:s13] =	ssyncadd.s32 $0xFFFFE200  }
0x189: {  	[hbm:s31@s9], [sflag:s26] =	dma.strided [spmem:s5@s8], $0x1E00, s11, $0x10   }
0x18a: {  	_ =	swait.ge [sflag:s7], $0x1E00  }
0x18b: {  	[sflag:s7] =	ssyncset.done $0x0  }
0x18c: {  	s1 =	rddreg [dreg:$0x15];
	[sflag:s7] =	ssyncadd.s32 $0xFFFFE200  }
0x18d: {  	[spmem:s5@s8], [sflag:s25] =	dma.strided [hbm:s1@s9], $0x1E00, s11, $0x10   }
0x18e: {  	_ =	swait.ge [sflag:s19], $0x1E00  }
0x18f: {  	[sflag:s19] =	ssyncset.done $0x0  }
0x190: {  	s31 =	rddreg [dreg:$0x16];
	[sflag:s19] =	ssyncadd.s32 $0xFFFFE200  }
0x191: {  	[hbm:s31@s9], [sflag:s29] =	dma.strided [spmem:s15@s8], $0x1E00, s11, $0x10   }
0x192: {  	_ =	swait.ge [sflag:s14], $0x1E00  }
0x193: {  	[sflag:s14] =	ssyncset.done $0x0  }
0x194: {  	s1 =	rddreg [dreg:$0x17];
	[sflag:s14] =	ssyncadd.s32 $0xFFFFE200  }
0x195: {  	[spmem:s15@s8], [sflag:s28] =	dma.strided [hbm:s1@s9], $0x1E00, s11, $0x10   }
0x196: {  	_ =	swait.ge [sflag:s13], $0x1E00  }
0x197: {  	[sflag:s13] =	ssyncset.done $0x0  }
0x198: {  	s31 =	rddreg [dreg:$0x18];
	[sflag:s13] =	ssyncadd.s32 $0xFFFFE200  }
0x199: {  	[hbm:s31@s9], [sflag:s26] =	dma.strided [spmem:s5@s8], $0x1E00, s11, $0x10   }
0x19a: {  	_ =	swait.ge [sflag:s7], $0x1E00  }
0x19b: {  	[sflag:s7] =	ssyncset.done $0x0  }
0x19c: {  	s1 =	rddreg [dreg:$0x19];
	[sflag:s7] =	ssyncadd.s32 $0xFFFFE200  }
0x19d: {  	[spmem:s5@s8], [sflag:s25] =	dma.strided [hbm:s1@s9], $0x1E00, s11, $0x10   }
0x19e: {  	_ =	swait.ge [sflag:s19], $0x1E00  }
0x19f: {  	[sflag:s19] =	ssyncset.done $0x0  }
0x1a0: {  	s31 =	rddreg [dreg:$0x1a];
	[sflag:s19] =	ssyncadd.s32 $0xFFFFE200  }
0x1a1: {  	[hbm:s31@s9], [sflag:s29] =	dma.strided [spmem:s15@s8], $0x1E00, s11, $0x10   }
0x1a2: {  	_ =	swait.ge [sflag:s14], $0x1E00  }
0x1a3: {  	[sflag:s14] =	ssyncset.done $0x0  }
0x1a4: {  	s1 =	rddreg [dreg:$0x1b];
	[sflag:s14] =	ssyncadd.s32 $0xFFFFE200  }
0x1a5: {  	[spmem:s15@s8], [sflag:s28] =	dma.strided [hbm:s1@s9], $0x1E00, s11, $0x10   }
0x1a6: {  	_ =	swait.ge [sflag:s13], $0x1E00  }
0x1a7: {  	[sflag:s13] =	ssyncset.done $0x0  }
0x1a8: {  	s31 =	rddreg [dreg:$0x1c];
	[sflag:s13] =	ssyncadd.s32 $0xFFFFE200  }
0x1a9: {  	[hbm:s31@s9], [sflag:s26] =	dma.strided [spmem:s5@s8], $0x1E00, s11, $0x10   }
0x1aa: {  	_ =	swait.ge [sflag:s7], $0x1E00  }
0x1ab: {  	[sflag:s7] =	ssyncset.done $0x0  }
0x1ac: {  	s1 =	rddreg [dreg:$0x1d];
	[sflag:s7] =	ssyncadd.s32 $0xFFFFE200  }
0x1ad: {  	[spmem:s5@s8], [sflag:s25] =	dma.strided [hbm:s1@s9], $0x1E00, s11, $0x10   }
0x1ae: {  	_ =	swait.ge [sflag:s19], $0x1E00  }
0x1af: {  	[sflag:s19] =	ssyncset.done $0x0  }
0x1b0: {  	s31 =	rddreg [dreg:$0x1e];
	[sflag:s19] =	ssyncadd.s32 $0xFFFFE200  }
0x1b1: {  	[hbm:s31@s9], [sflag:s29] =	dma.strided [spmem:s15@s8], $0x1E00, s11, $0x10   }
0x1b2: {  	_ =	swait.ge [sflag:s14], $0x1E00  }
0x1b3: {  	[sflag:s14] =	ssyncset.done $0x0  }
0x1b4: {  	[sflag:s14] =	ssyncadd.s32 $0xFFFFE200  }
0x1b5: {  	[spmem:s15@s8], [sflag:s28] =	dma.strided [hbm:s21@s9], $0x1E00, s11, $0x10   }
0x1b6: {  	_ =	swait.ge [sflag:s13], $0x1E00  }
0x1b7: {  	[sflag:s13] =	ssyncset.done $0x0  }
0x1b8: {  	[sflag:s13] =	ssyncadd.s32 $0xFFFFE200  }
0x1b9: {  	[hbm:s20@s9], [sflag:s26] =	dma.strided [spmem:s5@s8], $0x1E00, s11, $0x10   }
0x1ba: {  	_ =	swait.ge [sflag:s7], $0x1E00  }
0x1bb: {  	[sflag:s7] =	ssyncset.done $0x0  }
0x1bc: {  	[sflag:s7] =	ssyncadd.s32 $0xFFFFE200  }
0x1bd: {  	[spmem:s5@s8], [sflag:s25] =	dma.strided [hbm:s17@s9], $0x1E00, s11, $0x10   }
0x1be: {  	_ =	swait.ge [sflag:s19], $0x1E00  }
0x1bf: {  	[sflag:s19] =	ssyncset.done $0x0  }
0x1c0: {  	[sflag:s19] =	ssyncadd.s32 $0xFFFFE200  }
0x1c1: {  	[hbm:s16@s9], [sflag:s29] =	dma.strided [spmem:s15@s8], $0x1E00, s11, $0x10   }
0x1c2: {  	_ =	swait.ge [sflag:s14], $0x1E00  }
0x1c3: {  	[sflag:s14] =	ssyncset.done $0x0  }
0x1c4: {  	[sflag:s14] =	ssyncadd.s32 $0xFFFFE200  }
0x1c5: {  	[spmem:s15@s8], [sflag:s28] =	dma.strided [hbm:s12@s9], $0x1E00, s11, $0x10   }
0x1c6: {  	_ =	swait.ge [sflag:s13], $0x1E00  }
0x1c7: {  	[sflag:s13] =	ssyncset.done $0x0  }
0x1c8: {  	[sflag:s13] =	ssyncadd.s32 $0xFFFFE200  }
0x1c9: {  	[hbm:s10@s9], [sflag:s26] =	dma.strided [spmem:s5@s8], $0x1E00, s11, $0x10   }
0x1ca: {  	_ =	swait.ge [sflag:s7], $0x1E00  }
0x1cb: {  	[sflag:s7] =	ssyncset.done $0x0  }
0x1cc: {  	[sflag:s7] =	ssyncadd.s32 $0xFFFFE200  }
0x1cd: {  	[spmem:s5@s8], [sflag:s25] =	dma.strided [hbm:s6@s9], $0x800, s18, $0x10   }
0x1ce: {  	_ =	swait.ge [sflag:s19], $0x1E00  }
0x1cf: {  	[sflag:s19] =	ssyncset.done $0x0  }
0x1d0: {  	[sflag:s19] =	ssyncadd.s32 $0xFFFFE200  }
0x1d1: {  	[hbm:s4@s9], [sflag:s29] =	dma.strided [spmem:s15@s8], $0x1E00, s11, $0x10   }
0x1d2: {  	_ =	swait.ge [sflag:s13], $0x800  }
0x1d3: {  	[sflag:s13] =	ssyncset.done $0x0  }
0x1d4: {  	[sflag:s13] =	ssyncadd.s32 $0xFFFFF800  }
0x1d5: {  	[hbm:s3@s9], [sflag:s26] =	dma.strided [spmem:s5@s8], $0x800, s18, $0x10   }
0x1d6: {  	_ =	swait.ge [sflag:s14], $0x1E00  }
0x1d7: {  	[sflag:s14] =	ssyncset.done $0x0  }
0x1d8: {  	[sflag:s14] =	ssyncadd.s32 $0xFFFFE200  }
0x1d9: {  	_ =	swait.ge [sflag:s7], $0x800  }
0x1da: {  	[sflag:s7] =	ssyncset.done $0x0  }
0x1db: {  	s0 =	simm.s32 @!p0 $0x5;
	[sflag:s7] =	ssyncadd.s32 $0xFFFFF800  }
0x1dc: {  	_ =	swait.ge @!p0 [sflag:s0], $0x1000  }
0x1dd: {  	[sflag:s0] =	ssyncset.done @!p0 $0x0  }
0x1de: {  	[sflag:s0] =	ssyncadd.s32 @!p0 $0xFFFFF000  }
0x1df: {  	[hbm4b:s2+s22] =	stream.strided.scatter @!p0 [tilespmem:s24], [sflag:$0x5], $0x1000, s23, s22, $0x38;
	[tilespmem:$0x1F000] =	vst v63  }
0x1e0: {  	_ =	swait.ge @!p0 [sflag:s0], $0x1000  }
0x1e1: {  	[sflag:s0] =	ssyncset.done @!p0 $0x0  }
0x1e2: {  	[sflag:s0] =	ssyncadd.s32 @!p0 $0xFFFFF000  }
0x1e3: {  	_ =	sfence.sel $0x180000  }
0x1e4: {  	[bflag:$0x0] =	sbarrier.arrive $0xFFFF  }
0x1e5: {  	_ =	strace $0x90000047  }
0x1e6: {  	[bflag:$0x2] =	sbarrier.arrive $0xFFFF  }
0x1e7: {  	p0 =	sne.s32 s30, $0x0;
	s0 =	rddreg [dreg:$0x4]  }
0x1e8: {  	s0 =	sadd.s32 @!p0 $0x100000, s0  }
0x1e9: {  	[sflag:s0] =	ssyncadd.tile.s32 @!p0 $0x1;
	_ =	shalt  }
.Lfunc_end2:
_tile_overlayer_lowered:
.L_overlay_start_2:
0x1ea: {  	(tag) =	ssettag $0x2  }
0x1eb: {  	s0 =	rddreg [dreg:$0x0];
	s2 =	stileid.u32  }
0x1ec: {  	s1 =	rddreg [dreg:$0x1];
	p0 =	sne.s32 s2, $0x0  }
0x1ed: {  	s3 =	rddreg [dreg:$0x2];
	[bflag:$0x3] =	sbarrier.arrive $0xFFFF;
	s2 =	simm.s32 @!p0 $0x1C06  }
0x1ee: {  	[timem:s3], [sflag:s2] =	dma.local @!p0 [hbm:s0], s1  }
0x1ef: {  	s0 =	simm.s32 @!p0 $0x6  }
0x1f0: {  	_ =	swait.ge @!p0 [sflag:s0], s1  }
0x1f1: {  	s1 =	ssub.s32 @!p0 $0x0, s1;
	[sflag:s0] =	ssyncset.done @!p0 $0x0  }
0x1f2: {  	[sflag:s0] =	ssyncadd.s32 @!p0 s1  }
0x1f3: {  	[bflag:$0x3] =	sbarrier.arrive $0xFFFF  }
0x1f4: {  	_ =	shalt  }

</sc_bundles>
